<compile_context>
chip_gen: v7x
topology: tpu7x:2x2x1
jax: 0.10.2.dev20260603
libtpu: 0.0.44.dev20260713+nightly
codegen_flags: <defaults>
</compile_context>

<pallas_src>
import functools

import jax
import jax.numpy as jnp
from jax import lax
from jax.experimental import pallas as pl
from jax.experimental.pallas import tpu as pltpu
from jax.experimental.pallas import tpu_sc as plsc

_T = 256
_RT = 512
_NW = 32
_BATCH = 64


def _router_body(x_ref, wg_ref, bg_ref, g_ref, tril_ref, eid_ref, gate_ref,
                 rank_ref, counts_ref, x16_ref, cnt):
    i = pl.program_id(0)
    E = wg_ref.shape[1]
    z = jnp.dot(x_ref[...], wg_ref[...], preferred_element_type=jnp.float32)
    z = z + bg_ref[...] + g_ref[...]
    m = jnp.max(z, axis=1, keepdims=True)
    e = jnp.exp(z - m)
    ssum = jnp.sum(e, axis=1, keepdims=True)
    y = e / ssum
    my = jnp.max(y, axis=1, keepdims=True)
    iota = lax.broadcasted_iota(jnp.int32, z.shape, 1)
    idx = jnp.min(jnp.where(y == my, iota, E), axis=1)
    s = jnp.max(y, axis=1)
    gate = (1.0 + s) - s

    oh16 = (idx[:, None] == iota).astype(jnp.bfloat16)
    onehot = oh16.astype(jnp.float32)
    rank_incl = jnp.dot(tril_ref[...], oh16,
                        preferred_element_type=jnp.float32)
    pos_in_blk = jnp.sum(rank_incl * onehot, axis=1) - 1.0

    @pl.when(i == 0)
    def _():
        cnt[...] = jnp.zeros_like(cnt)

    base = cnt[...]
    grank = pos_in_blk + jnp.sum(onehot * base, axis=1)
    newc = base + jnp.sum(onehot, axis=0, keepdims=True)
    cnt[...] = newc
    counts_ref[...] = newc

    eid_ref[...] = idx[:, None]
    gate_ref[...] = gate[:, None]
    rank_ref[...] = grank.astype(jnp.int32)[:, None]
    D2 = x_ref.shape[1] // 2
    xb = x_ref[...].astype(jnp.bfloat16)
    lo = lax.bitcast_convert_type(xb[:, :D2], jnp.uint16).astype(jnp.uint32)
    hi = lax.bitcast_convert_type(xb[:, D2:], jnp.uint16).astype(jnp.uint32)
    x16_ref[...] = ((hi << 16) | lo).astype(jnp.int32)


def _expert_body(te_ref, xs_ref, w1_ref, b1_ref, w2_ref, b2_ref, out_ref):
    D2 = xs_ref.shape[1]
    w = xs_ref[...]
    xlo = lax.bitcast_convert_type(
        (w & 0xFFFF).astype(jnp.uint16), jnp.bfloat16)
    xhi = lax.bitcast_convert_type(
        (w >> 16).astype(jnp.uint16), jnp.bfloat16)
    h = jnp.dot(xlo, w1_ref[0, :D2], preferred_element_type=jnp.float32)
    h = h + jnp.dot(xhi, w1_ref[0, D2:], preferred_element_type=jnp.float32)
    h = jnp.maximum(h + b1_ref[0], 0.0)
    o = jnp.dot(h, w2_ref[0], preferred_element_type=jnp.float32)
    out_ref[...] = o + b2_ref[0, 0, 0]


def _make_sc_scatter(N, D, GT):
    rows_per_w = N // _NW
    K = rows_per_w // _BATCH
    mesh = plsc.VectorSubcoreMesh(core_axis_name="c", subcore_axis_name="s")

    @functools.partial(
        pl.kernel,
        out_type=jax.ShapeDtypeStruct((GT, D), jnp.int32),
        mesh=mesh,
        scratch_types=[
            pltpu.VMEM((K, _BATCH), jnp.int32),
            pltpu.VMEM((_BATCH, D), jnp.int32),
            pltpu.VMEM((_BATCH, D), jnp.int32),
            pltpu.SemaphoreType.DMA,
            pltpu.SemaphoreType.DMA,
        ],
    )
    def sc_scatter(x_hbm, pos_hbm, out_hbm, idx_v, buf0, buf1, sem_ld,
                   sem_st):
        w = lax.axis_index("s") * 2 + lax.axis_index("c")
        base = w * rows_per_w
        pltpu.sync_copy(pos_hbm.at[w], idx_v)
        bufs = (buf0, buf1)
        loads = [None, None]
        scats = [None, None]
        loads[0] = pltpu.async_copy(
            x_hbm.at[pl.ds(base, _BATCH)], bufs[0], sem_ld)
        for j in range(K):
            loads[j % 2].wait()
            if j + 1 < K:
                if scats[(j + 1) % 2] is not None:
                    scats[(j + 1) % 2].wait()
                loads[(j + 1) % 2] = pltpu.async_copy(
                    x_hbm.at[pl.ds(base + (j + 1) * _BATCH, _BATCH)],
                    bufs[(j + 1) % 2], sem_ld)
            scats[j % 2] = pltpu.async_copy(
                bufs[j % 2], out_hbm.at[idx_v.at[j]], sem_st)
        scats[(K - 2) % 2].wait()
        scats[(K - 1) % 2].wait()

    return sc_scatter


def kernel(x, Wg, bg, W1, b1, W2, b2):
    B, S, D = x.shape
    N = B * S
    E = W1.shape[0]
    x_flat = x.reshape(N, D)

    u = jax.random.uniform(jax.random.key(42), (N, E), minval=1e-20,
                           maxval=1.0, dtype=x.dtype)
    g = -jnp.log(-jnp.log(u))
    tril = (jnp.arange(_RT, dtype=jnp.int32)[None, :]
            <= jnp.arange(_RT, dtype=jnp.int32)[:, None]).astype(jnp.bfloat16)

    eid2, gate2, rank2, counts_f, x16 = pl.pallas_call(
        _router_body,
        grid=(N // _RT,),
        in_specs=[
            pl.BlockSpec((_RT, D), lambda i: (i, 0)),
            pl.BlockSpec((D, E), lambda i: (0, 0)),
            pl.BlockSpec((1, E), lambda i: (0, 0)),
            pl.BlockSpec((_RT, E), lambda i: (i, 0)),
            pl.BlockSpec((_RT, _RT), lambda i: (0, 0)),
        ],
        out_specs=[
            pl.BlockSpec((_RT, 1), lambda i: (i, 0)),
            pl.BlockSpec((_RT, 1), lambda i: (i, 0)),
            pl.BlockSpec((_RT, 1), lambda i: (i, 0)),
            pl.BlockSpec((1, E), lambda i: (0, 0)),
            pl.BlockSpec((_RT, D // 2), lambda i: (i, 0)),
        ],
        out_shape=[
            jax.ShapeDtypeStruct((N, 1), jnp.int32),
            jax.ShapeDtypeStruct((N, 1), jnp.float32),
            jax.ShapeDtypeStruct((N, 1), jnp.int32),
            jax.ShapeDtypeStruct((1, E), jnp.float32),
            jax.ShapeDtypeStruct((N, D // 2), jnp.int32),
        ],
        scratch_shapes=[pltpu.VMEM((1, E), jnp.float32)],
    )(x_flat, Wg, bg.reshape(1, E), g, tril)
    eid = eid2[:, 0]
    gate = gate2[:, 0]
    rank = rank2[:, 0]
    counts = counts_f[0].astype(jnp.int32)

    G = N // _T + E
    tiles_e = (counts + _T - 1) // _T
    cum_tiles = jnp.cumsum(tiles_e)
    tile_start = jnp.concatenate(
        [jnp.zeros((1,), jnp.int32), cum_tiles[:-1]])
    tvec = jnp.arange(G, dtype=jnp.int32)
    tile_expert = jnp.minimum(
        jnp.sum(tvec[:, None] >= cum_tiles[None, :], axis=1),
        E - 1).astype(jnp.int32)
    padded_pos = tile_start[eid] * _T + rank

    x_sorted = _make_sc_scatter(N, D // 2, G * _T)(
        x16, padded_pos.reshape(_NW, N // _NW // _BATCH, _BATCH))

    grid_spec = pltpu.PrefetchScalarGridSpec(
        num_scalar_prefetch=1,
        grid=(G,),
        in_specs=[
            pl.BlockSpec((_T, D // 2), lambda i, te: (i, 0)),
            pl.BlockSpec((1, D, D), lambda i, te: (te[i], 0, 0)),
            pl.BlockSpec((1, 1, D), lambda i, te: (te[i], 0, 0)),
            pl.BlockSpec((1, D, 1), lambda i, te: (te[i], 0, 0)),
            pl.BlockSpec((1, 1, 1), lambda i, te: (te[i], 0, 0)),
        ],
        out_specs=pl.BlockSpec((_T, 1), lambda i, te: (i, 0)),
    )
    out_sorted = pl.pallas_call(
        _expert_body,
        grid_spec=grid_spec,
        out_shape=jax.ShapeDtypeStruct((G * _T, 1), jnp.float32),
    )(tile_expert, x_sorted, W1, b1.reshape(E, 1, D), W2,
      b2.reshape(E, 1, 1))

    out = out_sorted[padded_pos, 0] * gate
    return out.reshape(B, S, 1)

# --- scband reference (transcript-rebuilt; emitter-appended) ---
"""Pipeline reference for scband-sparse-mo-elayer-70514773066255 (READ-ONLY COPY).

The authoritative reference and input builder live on the scoring server;
editing this copy changes nothing except your own understanding.
"""

import jax, jax.numpy as jnp
import numpy as np

D_MODEL = 1024
NUM_EXPERTS = 8
TOP_K = 2
BATCH = 4
SEQ = 2048


def setup_inputs(seed: int = 0) -> dict:
    key = jax.random.key(seed)
    ks = jax.random.split(key, 8)
    x = jax.random.normal(ks[0], (BATCH, SEQ, D_MODEL), dtype=jnp.float32)
    s = 1.0 / np.sqrt(D_MODEL)
    sg = 1.0 / np.sqrt(D_MODEL)
    Wg = jax.random.uniform(ks[1], (D_MODEL, NUM_EXPERTS), minval=-sg, maxval=sg, dtype=jnp.float32)
    bg = jax.random.uniform(ks[2], (NUM_EXPERTS,), minval=-sg, maxval=sg, dtype=jnp.float32)
    W1 = jax.random.uniform(ks[3], (NUM_EXPERTS, D_MODEL, D_MODEL), minval=-s, maxval=s, dtype=jnp.float32)
    b1 = jax.random.uniform(ks[4], (NUM_EXPERTS, D_MODEL), minval=-s, maxval=s, dtype=jnp.float32)
    W2 = jax.random.uniform(ks[5], (NUM_EXPERTS, D_MODEL, 1), minval=-s, maxval=s, dtype=jnp.float32)
    b2 = jax.random.uniform(ks[6], (NUM_EXPERTS, 1), minval=-s, maxval=s, dtype=jnp.float32)
    return {"x": x, "Wg": Wg, "bg": bg, "W1": W1, "b1": b1, "W2": W2, "b2": b2}


def _gumbel_softmax_hard(logits, key, tau=1.0):
    u = jax.random.uniform(key, logits.shape, minval=1e-20, maxval=1.0, dtype=logits.dtype)
    g = -jnp.log(-jnp.log(u))
    y_soft = jax.nn.softmax((logits + g) / tau, axis=-1)
    idx = jnp.argmax(y_soft, axis=-1)
    y_hard = jax.nn.one_hot(idx, logits.shape[-1], dtype=logits.dtype)
    # straight-through: hard in forward, soft gradient
    return y_hard + y_soft - jax.lax.stop_gradient(y_soft)


def reference(x, Wg, bg, W1, b1, W2, b2):
    B, S, D = x.shape
    x_flat = x.reshape(-1, D)
    router_logits = x_flat @ Wg + bg
    routing_weights = jax.nn.softmax(router_logits, axis=-1)
    # computed but unused, parity with the torch module
    top_k_weights, selected_experts = jax.lax.top_k(routing_weights, TOP_K)
    gates = _gumbel_softmax_hard(router_logits, jax.random.key(42), tau=1.0)
    final_output = jnp.zeros((x_flat.shape[0], 1), dtype=x.dtype)
    for i in range(NUM_EXPERTS):
        h = jax.nn.relu(x_flat @ W1[i] + b1[i])
        expert_output = h @ W2[i] + b2[i]
        final_output = final_output + expert_output * gates[:, i:i + 1]
    return final_output.reshape(B, S, 1)

if __name__ == "__main__":
    import jax
    _d = setup_inputs()
    print(jax.jit(kernel)(*tuple(_d.values())))

</pallas_src>

<mosaic_0001>
#map = affine_map<(d0, d1) -> (0, 0)>
#map1 = affine_map<(d0, d1) -> (0, 0, 0)>
module attributes {stable_mosaic.version = 14 : i64} {
  func.func @sc_scatter(%arg0: i32, %arg1: i32, %arg2: memref<8192x512xi32, #tpu.memory_space<hbm>>, %arg3: memref<32x4x64xi32, #tpu.memory_space<hbm>>, %arg4: memref<10240x512xi32, #tpu.memory_space<hbm>>, %arg5: memref<4x64xi32, #tpu.memory_space<vmem>>, %arg6: memref<64x512xi32, #tpu.memory_space<vmem>>, %arg7: memref<64x512xi32, #tpu.memory_space<vmem>>, %arg8: memref<!tpu.dma_semaphore, #tpu.memory_space<semaphore_mem>>, %arg9: memref<!tpu.dma_semaphore, #tpu.memory_space<semaphore_mem>>) attributes {dimension_semantics = [#tpu.dimension_semantics<core_parallel>, #tpu.dimension_semantics<subcore_parallel>], iteration_bounds = array<i64: 2, 16>, scalar_prefetch = 0 : i64, scratch_operands = 5 : i64, tpu.core_type = #tpu.core_type<sc_vector_subcore>, window_params = [{transform_indices = #map}, {transform_indices = #map1}, {transform_indices = #map}]} {
    %mul3A = arith.constant 2 : i32
    %mul3A_0 = arith.muli %arg1, %mul3A : i32
    %add3A = arith.addi %mul3A_0, %arg0 : i32
    %mul3A_1 = arith.constant 256 : i32
    %mul3A_2 = arith.muli %add3A, %mul3A_1 : i32
    "tpu.region"() ({
      %run_scoped3A = tpu.sem_alloc : memref<!tpu.dma_semaphore, #tpu.memory_space<semaphore_mem>>
      %dma_start3A_95 = arith.constant 0 : i32
      %dma_start3A_96 = arith.constant 0 : i32
      %dma_start3A_97 = tpu.memref_slice %arg3[%add3A, %dma_start3A_95, %dma_start3A_96] : memref<32x4x64xi32, #tpu.memory_space<hbm>> -> memref<1x4x64xi32, #tpu.memory_space<hbm>>
      %dma_start3A_98 = tpu.memref_squeeze %dma_start3A_97 : memref<1x4x64xi32, #tpu.memory_space<hbm>> -> memref<4x64xi32, #tpu.memory_space<hbm>>
      %dma_start3A_99 = arith.constant 0 : i32
      %dma_start3A_100 = arith.constant 0 : i32
      %dma_start3A_101 = tpu.memref_slice %arg3[%add3A, %dma_start3A_99, %dma_start3A_100] : memref<32x4x64xi32, #tpu.memory_space<hbm>> -> memref<1x4x64xi32, #tpu.memory_space<hbm>>
      %dma_start3A_102 = tpu.memref_squeeze %dma_start3A_101 : memref<1x4x64xi32, #tpu.memory_space<hbm>> -> memref<4x64xi32, #tpu.memory_space<hbm>>
      tpu.enqueue_dma source(%dma_start3A_102 : memref<4x64xi32, #tpu.memory_space<hbm>>) target(%arg5 : memref<4x64xi32, #tpu.memory_space<vmem>>) target_semaphore(%run_scoped3A : memref<!tpu.dma_semaphore, #tpu.memory_space<semaphore_mem>>)
      %dma_wait3A_103 = arith.constant 0 : i32
      %dma_wait3A_104 = arith.constant 0 : i32
      %dma_wait3A_105 = tpu.memref_slice %arg3[%add3A, %dma_wait3A_103, %dma_wait3A_104] : memref<32x4x64xi32, #tpu.memory_space<hbm>> -> memref<1x4x64xi32, #tpu.memory_space<hbm>>
      %dma_wait3A_106 = tpu.memref_squeeze %dma_wait3A_105 : memref<1x4x64xi32, #tpu.memory_space<hbm>> -> memref<4x64xi32, #tpu.memory_space<hbm>>
      %dma_wait3A_107 = arith.constant 0 : i32
      %dma_wait3A_108 = arith.constant 0 : i32
      %dma_wait3A_109 = tpu.memref_slice %arg3[%add3A, %dma_wait3A_107, %dma_wait3A_108] : memref<32x4x64xi32, #tpu.memory_space<hbm>> -> memref<1x4x64xi32, #tpu.memory_space<hbm>>
      %dma_wait3A_110 = tpu.memref_squeeze %dma_wait3A_109 : memref<1x4x64xi32, #tpu.memory_space<hbm>> -> memref<4x64xi32, #tpu.memory_space<hbm>>
      tpu.wait_dma2 semaphore(%run_scoped3A : memref<!tpu.dma_semaphore, #tpu.memory_space<semaphore_mem>>) src(%dma_wait3A_110 : memref<4x64xi32, #tpu.memory_space<hbm>>) dst(%arg5 : memref<4x64xi32, #tpu.memory_space<vmem>>)
      tpu.yield
    }) : () -> ()
    %dma_start3A = arith.constant 0 : i32
    %dma_start3A_3 = tpu.memref_slice %arg2[%mul3A_2, %dma_start3A] : memref<8192x512xi32, #tpu.memory_space<hbm>> -> memref<64x512xi32, #tpu.memory_space<hbm>>
    %dma_start3A_4 = arith.constant 0 : i32
    %dma_start3A_5 = tpu.memref_slice %arg2[%mul3A_2, %dma_start3A_4] : memref<8192x512xi32, #tpu.memory_space<hbm>> -> memref<64x512xi32, #tpu.memory_space<hbm>>
    tpu.enqueue_dma source(%dma_start3A_5 : memref<64x512xi32, #tpu.memory_space<hbm>>) target(%arg6 : memref<64x512xi32, #tpu.memory_space<vmem>>) target_semaphore(%arg8 : memref<!tpu.dma_semaphore, #tpu.memory_space<semaphore_mem>>)
    %dma_wait3A = arith.constant 0 : i32
    %dma_wait3A_6 = tpu.memref_slice %arg2[%mul3A_2, %dma_wait3A] : memref<8192x512xi32, #tpu.memory_space<hbm>> -> memref<64x512xi32, #tpu.memory_space<hbm>>
    %dma_wait3A_7 = arith.constant 0 : i32
    %dma_wait3A_8 = tpu.memref_slice %arg2[%mul3A_2, %dma_wait3A_7] : memref<8192x512xi32, #tpu.memory_space<hbm>> -> memref<64x512xi32, #tpu.memory_space<hbm>>
    tpu.wait_dma2 semaphore(%arg8 : memref<!tpu.dma_semaphore, #tpu.memory_space<semaphore_mem>>) src(%dma_wait3A_8 : memref<64x512xi32, #tpu.memory_space<hbm>>) dst(%arg6 : memref<64x512xi32, #tpu.memory_space<vmem>>)
    %add3A_9 = arith.constant 64 : i32
    %add3A_10 = arith.addi %mul3A_2, %add3A_9 : i32
    %dma_start3A_11 = arith.constant 0 : i32
    %dma_start3A_12 = tpu.memref_slice %arg2[%add3A_10, %dma_start3A_11] : memref<8192x512xi32, #tpu.memory_space<hbm>> -> memref<64x512xi32, #tpu.memory_space<hbm>>
    %dma_start3A_13 = arith.constant 0 : i32
    %dma_start3A_14 = tpu.memref_slice %arg2[%add3A_10, %dma_start3A_13] : memref<8192x512xi32, #tpu.memory_space<hbm>> -> memref<64x512xi32, #tpu.memory_space<hbm>>
    tpu.enqueue_dma source(%dma_start3A_14 : memref<64x512xi32, #tpu.memory_space<hbm>>) target(%arg7 : memref<64x512xi32, #tpu.memory_space<vmem>>) target_semaphore(%arg8 : memref<!tpu.dma_semaphore, #tpu.memory_space<semaphore_mem>>)
    %dma_start3A_15 = arith.constant 0 : i32
    %dma_start3A_16 = arith.constant 0 : i32
    %dma_start3A_17 = tpu.memref_slice %arg5[%dma_start3A_15, %dma_start3A_16] : memref<4x64xi32, #tpu.memory_space<vmem>> -> memref<1x64xi32, #tpu.memory_space<vmem>>
    %dma_start3A_18 = tpu.memref_squeeze %dma_start3A_17 : memref<1x64xi32, #tpu.memory_space<vmem>> -> memref<64xi32, #tpu.memory_space<vmem>>
    %dma_start3A_19 = arith.constant 0 : i32
    %dma_start3A_20 = arith.constant 0 : i32
    %dma_start3A_21 = tpu.memref_slice %arg4[%dma_start3A_19, %dma_start3A_20] : memref<10240x512xi32, #tpu.memory_space<hbm>> -> memref<10240x512xi32, #tpu.memory_space<hbm>>
    tpu.enqueue_indirect_dma source(%arg6 : memref<64x512xi32, #tpu.memory_space<vmem>>) target(%dma_start3A_21 : memref<10240x512xi32, #tpu.memory_space<hbm>>) offsets(%dma_start3A_18 : memref<64xi32, #tpu.memory_space<vmem>>) semaphore(%arg9 : memref<!tpu.dma_semaphore, #tpu.memory_space<semaphore_mem>>)
    %dma_wait3A_22 = arith.constant 0 : i32
    %dma_wait3A_23 = tpu.memref_slice %arg2[%add3A_10, %dma_wait3A_22] : memref<8192x512xi32, #tpu.memory_space<hbm>> -> memref<64x512xi32, #tpu.memory_space<hbm>>
    %dma_wait3A_24 = arith.constant 0 : i32
    %dma_wait3A_25 = tpu.memref_slice %arg2[%add3A_10, %dma_wait3A_24] : memref<8192x512xi32, #tpu.memory_space<hbm>> -> memref<64x512xi32, #tpu.memory_space<hbm>>
    tpu.wait_dma2 semaphore(%arg8 : memref<!tpu.dma_semaphore, #tpu.memory_space<semaphore_mem>>) src(%dma_wait3A_25 : memref<64x512xi32, #tpu.memory_space<hbm>>) dst(%arg7 : memref<64x512xi32, #tpu.memory_space<vmem>>)
    %dma_wait3A_26 = arith.constant 0 : i32
    %dma_wait3A_27 = arith.constant 0 : i32
    %dma_wait3A_28 = tpu.memref_slice %arg5[%dma_wait3A_26, %dma_wait3A_27] : memref<4x64xi32, #tpu.memory_space<vmem>> -> memref<1x64xi32, #tpu.memory_space<vmem>>
    %dma_wait3A_29 = tpu.memref_squeeze %dma_wait3A_28 : memref<1x64xi32, #tpu.memory_space<vmem>> -> memref<64xi32, #tpu.memory_space<vmem>>
    %dma_wait3A_30 = arith.constant 0 : i32
    %dma_wait3A_31 = arith.constant 0 : i32
    %dma_wait3A_32 = tpu.memref_slice %arg4[%dma_wait3A_30, %dma_wait3A_31] : memref<10240x512xi32, #tpu.memory_space<hbm>> -> memref<10240x512xi32, #tpu.memory_space<hbm>>
    tpu.wait_indirect_dma semaphore(%arg9 : memref<!tpu.dma_semaphore, #tpu.memory_space<semaphore_mem>>) src(%arg6 : memref<64x512xi32, #tpu.memory_space<vmem>>) dst(%dma_wait3A_32 : memref<10240x512xi32, #tpu.memory_space<hbm>>)
    %add3A_33 = arith.constant 128 : i32
    %add3A_34 = arith.addi %mul3A_2, %add3A_33 : i32
    %dma_start3A_35 = arith.constant 0 : i32
    %dma_start3A_36 = tpu.memref_slice %arg2[%add3A_34, %dma_start3A_35] : memref<8192x512xi32, #tpu.memory_space<hbm>> -> memref<64x512xi32, #tpu.memory_space<hbm>>
    %dma_start3A_37 = arith.constant 0 : i32
    %dma_start3A_38 = tpu.memref_slice %arg2[%add3A_34, %dma_start3A_37] : memref<8192x512xi32, #tpu.memory_space<hbm>> -> memref<64x512xi32, #tpu.memory_space<hbm>>
    tpu.enqueue_dma source(%dma_start3A_38 : memref<64x512xi32, #tpu.memory_space<hbm>>) target(%arg6 : memref<64x512xi32, #tpu.memory_space<vmem>>) target_semaphore(%arg8 : memref<!tpu.dma_semaphore, #tpu.memory_space<semaphore_mem>>)
    %dma_start3A_39 = arith.constant 1 : i32
    %dma_start3A_40 = arith.constant 0 : i32
    %dma_start3A_41 = tpu.memref_slice %arg5[%dma_start3A_39, %dma_start3A_40] : memref<4x64xi32, #tpu.memory_space<vmem>> -> memref<1x64xi32, #tpu.memory_space<vmem>>
    %dma_start3A_42 = tpu.memref_squeeze %dma_start3A_41 : memref<1x64xi32, #tpu.memory_space<vmem>> -> memref<64xi32, #tpu.memory_space<vmem>>
    %dma_start3A_43 = arith.constant 0 : i32
    %dma_start3A_44 = arith.constant 0 : i32
    %dma_start3A_45 = tpu.memref_slice %arg4[%dma_start3A_43, %dma_start3A_44] : memref<10240x512xi32, #tpu.memory_space<hbm>> -> memref<10240x512xi32, #tpu.memory_space<hbm>>
    tpu.enqueue_indirect_dma source(%arg7 : memref<64x512xi32, #tpu.memory_space<vmem>>) target(%dma_start3A_45 : memref<10240x512xi32, #tpu.memory_space<hbm>>) offsets(%dma_start3A_42 : memref<64xi32, #tpu.memory_space<vmem>>) semaphore(%arg9 : memref<!tpu.dma_semaphore, #tpu.memory_space<semaphore_mem>>)
    %dma_wait3A_46 = arith.constant 0 : i32
    %dma_wait3A_47 = tpu.memref_slice %arg2[%add3A_34, %dma_wait3A_46] : memref<8192x512xi32, #tpu.memory_space<hbm>> -> memref<64x512xi32, #tpu.memory_space<hbm>>
    %dma_wait3A_48 = arith.constant 0 : i32
    %dma_wait3A_49 = tpu.memref_slice %arg2[%add3A_34, %dma_wait3A_48] : memref<8192x512xi32, #tpu.memory_space<hbm>> -> memref<64x512xi32, #tpu.memory_space<hbm>>
    tpu.wait_dma2 semaphore(%arg8 : memref<!tpu.dma_semaphore, #tpu.memory_space<semaphore_mem>>) src(%dma_wait3A_49 : memref<64x512xi32, #tpu.memory_space<hbm>>) dst(%arg6 : memref<64x512xi32, #tpu.memory_space<vmem>>)
    %dma_wait3A_50 = arith.constant 1 : i32
    %dma_wait3A_51 = arith.constant 0 : i32
    %dma_wait3A_52 = tpu.memref_slice %arg5[%dma_wait3A_50, %dma_wait3A_51] : memref<4x64xi32, #tpu.memory_space<vmem>> -> memref<1x64xi32, #tpu.memory_space<vmem>>
    %dma_wait3A_53 = tpu.memref_squeeze %dma_wait3A_52 : memref<1x64xi32, #tpu.memory_space<vmem>> -> memref<64xi32, #tpu.memory_space<vmem>>
    %dma_wait3A_54 = arith.constant 0 : i32
    %dma_wait3A_55 = arith.constant 0 : i32
    %dma_wait3A_56 = tpu.memref_slice %arg4[%dma_wait3A_54, %dma_wait3A_55] : memref<10240x512xi32, #tpu.memory_space<hbm>> -> memref<10240x512xi32, #tpu.memory_space<hbm>>
    tpu.wait_indirect_dma semaphore(%arg9 : memref<!tpu.dma_semaphore, #tpu.memory_space<semaphore_mem>>) src(%arg7 : memref<64x512xi32, #tpu.memory_space<vmem>>) dst(%dma_wait3A_56 : memref<10240x512xi32, #tpu.memory_space<hbm>>)
    %add3A_57 = arith.constant 192 : i32
    %add3A_58 = arith.addi %mul3A_2, %add3A_57 : i32
    %dma_start3A_59 = arith.constant 0 : i32
    %dma_start3A_60 = tpu.memref_slice %arg2[%add3A_58, %dma_start3A_59] : memref<8192x512xi32, #tpu.memory_space<hbm>> -> memref<64x512xi32, #tpu.memory_space<hbm>>
    %dma_start3A_61 = arith.constant 0 : i32
    %dma_start3A_62 = tpu.memref_slice %arg2[%add3A_58, %dma_start3A_61] : memref<8192x512xi32, #tpu.memory_space<hbm>> -> memref<64x512xi32, #tpu.memory_space<hbm>>
    tpu.enqueue_dma source(%dma_start3A_62 : memref<64x512xi32, #tpu.memory_space<hbm>>) target(%arg7 : memref<64x512xi32, #tpu.memory_space<vmem>>) target_semaphore(%arg8 : memref<!tpu.dma_semaphore, #tpu.memory_space<semaphore_mem>>)
    %dma_start3A_63 = arith.constant 2 : i32
    %dma_start3A_64 = arith.constant 0 : i32
    %dma_start3A_65 = tpu.memref_slice %arg5[%dma_start3A_63, %dma_start3A_64] : memref<4x64xi32, #tpu.memory_space<vmem>> -> memref<1x64xi32, #tpu.memory_space<vmem>>
    %dma_start3A_66 = tpu.memref_squeeze %dma_start3A_65 : memref<1x64xi32, #tpu.memory_space<vmem>> -> memref<64xi32, #tpu.memory_space<vmem>>
    %dma_start3A_67 = arith.constant 0 : i32
    %dma_start3A_68 = arith.constant 0 : i32
    %dma_start3A_69 = tpu.memref_slice %arg4[%dma_start3A_67, %dma_start3A_68] : memref<10240x512xi32, #tpu.memory_space<hbm>> -> memref<10240x512xi32, #tpu.memory_space<hbm>>
    tpu.enqueue_indirect_dma source(%arg6 : memref<64x512xi32, #tpu.memory_space<vmem>>) target(%dma_start3A_69 : memref<10240x512xi32, #tpu.memory_space<hbm>>) offsets(%dma_start3A_66 : memref<64xi32, #tpu.memory_space<vmem>>) semaphore(%arg9 : memref<!tpu.dma_semaphore, #tpu.memory_space<semaphore_mem>>)
    %dma_wait3A_70 = arith.constant 0 : i32
    %dma_wait3A_71 = tpu.memref_slice %arg2[%add3A_58, %dma_wait3A_70] : memref<8192x512xi32, #tpu.memory_space<hbm>> -> memref<64x512xi32, #tpu.memory_space<hbm>>
    %dma_wait3A_72 = arith.constant 0 : i32
    %dma_wait3A_73 = tpu.memref_slice %arg2[%add3A_58, %dma_wait3A_72] : memref<8192x512xi32, #tpu.memory_space<hbm>> -> memref<64x512xi32, #tpu.memory_space<hbm>>
    tpu.wait_dma2 semaphore(%arg8 : memref<!tpu.dma_semaphore, #tpu.memory_space<semaphore_mem>>) src(%dma_wait3A_73 : memref<64x512xi32, #tpu.memory_space<hbm>>) dst(%arg7 : memref<64x512xi32, #tpu.memory_space<vmem>>)
    %dma_start3A_74 = arith.constant 3 : i32
    %dma_start3A_75 = arith.constant 0 : i32
    %dma_start3A_76 = tpu.memref_slice %arg5[%dma_start3A_74, %dma_start3A_75] : memref<4x64xi32, #tpu.memory_space<vmem>> -> memref<1x64xi32, #tpu.memory_space<vmem>>
    %dma_start3A_77 = tpu.memref_squeeze %dma_start3A_76 : memref<1x64xi32, #tpu.memory_space<vmem>> -> memref<64xi32, #tpu.memory_space<vmem>>
    %dma_start3A_78 = arith.constant 0 : i32
    %dma_start3A_79 = arith.constant 0 : i32
    %dma_start3A_80 = tpu.memref_slice %arg4[%dma_start3A_78, %dma_start3A_79] : memref<10240x512xi32, #tpu.memory_space<hbm>> -> memref<10240x512xi32, #tpu.memory_space<hbm>>
    tpu.enqueue_indirect_dma source(%arg7 : memref<64x512xi32, #tpu.memory_space<vmem>>) target(%dma_start3A_80 : memref<10240x512xi32, #tpu.memory_space<hbm>>) offsets(%dma_start3A_77 : memref<64xi32, #tpu.memory_space<vmem>>) semaphore(%arg9 : memref<!tpu.dma_semaphore, #tpu.memory_space<semaphore_mem>>)
    %dma_wait3A_81 = arith.constant 2 : i32
    %dma_wait3A_82 = arith.constant 0 : i32
    %dma_wait3A_83 = tpu.memref_slice %arg5[%dma_wait3A_81, %dma_wait3A_82] : memref<4x64xi32, #tpu.memory_space<vmem>> -> memref<1x64xi32, #tpu.memory_space<vmem>>
    %dma_wait3A_84 = tpu.memref_squeeze %dma_wait3A_83 : memref<1x64xi32, #tpu.memory_space<vmem>> -> memref<64xi32, #tpu.memory_space<vmem>>
    %dma_wait3A_85 = arith.constant 0 : i32
    %dma_wait3A_86 = arith.constant 0 : i32
    %dma_wait3A_87 = tpu.memref_slice %arg4[%dma_wait3A_85, %dma_wait3A_86] : memref<10240x512xi32, #tpu.memory_space<hbm>> -> memref<10240x512xi32, #tpu.memory_space<hbm>>
    tpu.wait_indirect_dma semaphore(%arg9 : memref<!tpu.dma_semaphore, #tpu.memory_space<semaphore_mem>>) src(%arg6 : memref<64x512xi32, #tpu.memory_space<vmem>>) dst(%dma_wait3A_87 : memref<10240x512xi32, #tpu.memory_space<hbm>>)
    %dma_wait3A_88 = arith.constant 3 : i32
    %dma_wait3A_89 = arith.constant 0 : i32
    %dma_wait3A_90 = tpu.memref_slice %arg5[%dma_wait3A_88, %dma_wait3A_89] : memref<4x64xi32, #tpu.memory_space<vmem>> -> memref<1x64xi32, #tpu.memory_space<vmem>>
    %dma_wait3A_91 = tpu.memref_squeeze %dma_wait3A_90 : memref<1x64xi32, #tpu.memory_space<vmem>> -> memref<64xi32, #tpu.memory_space<vmem>>
    %dma_wait3A_92 = arith.constant 0 : i32
    %dma_wait3A_93 = arith.constant 0 : i32
    %dma_wait3A_94 = tpu.memref_slice %arg4[%dma_wait3A_92, %dma_wait3A_93] : memref<10240x512xi32, #tpu.memory_space<hbm>> -> memref<10240x512xi32, #tpu.memory_space<hbm>>
    tpu.wait_indirect_dma semaphore(%arg9 : memref<!tpu.dma_semaphore, #tpu.memory_space<semaphore_mem>>) src(%arg7 : memref<64x512xi32, #tpu.memory_space<vmem>>) dst(%dma_wait3A_94 : memref<10240x512xi32, #tpu.memory_space<hbm>>)
    return
  }
}

module attributes {stable_mosaic.version = 14 : i64} {
  func.func @_router_body(%arg0: i32, %arg1: memref<512x1024xf32, #tpu.memory_space<vmem>>, %arg2: memref<1024x8xf32, #tpu.memory_space<vmem>>, %arg3: memref<1x8xf32, #tpu.memory_space<vmem>>, %arg4: memref<512x8xf32, #tpu.memory_space<vmem>>, %arg5: memref<512x512xbf16, #tpu.memory_space<vmem>>, %arg6: memref<512x1xi32, #tpu.memory_space<vmem>>, %arg7: memref<512x1xf32, #tpu.memory_space<vmem>>, %arg8: memref<512x1xi32, #tpu.memory_space<vmem>>, %arg9: memref<1x8xf32, #tpu.memory_space<vmem>>, %arg10: memref<512x512xi32, #tpu.memory_space<vmem>>, %arg11: memref<1x8xf32, #tpu.memory_space<vmem>>) attributes {dimension_semantics = [#tpu.dimension_semantics<arbitrary>], iteration_bounds = array<i64: 16>, scalar_prefetch = 0 : i64, scratch_operands = 1 : i64, tpu.core_type = #tpu.core_type<tc>, window_params = [{transform_indices = @transform_0, window_bounds = array<i64: 512, 1024>}, {pipeline_mode = #tpu.pipeline_mode<synchronous>, transform_indices = @transform_1, window_bounds = array<i64: 1024, 8>}, {pipeline_mode = #tpu.pipeline_mode<synchronous>, transform_indices = @transform_2, window_bounds = array<i64: 1, 8>}, {transform_indices = @transform_3, window_bounds = array<i64: 512, 8>}, {pipeline_mode = #tpu.pipeline_mode<synchronous>, transform_indices = @transform_4, window_bounds = array<i64: 512, 512>}, {transform_indices = @transform_5, window_bounds = array<i64: 512, 1>}, {transform_indices = @transform_6, window_bounds = array<i64: 512, 1>}, {transform_indices = @transform_7, window_bounds = array<i64: 512, 1>}, {pipeline_mode = #tpu.pipeline_mode<synchronous>, transform_indices = @transform_8, window_bounds = array<i64: 1, 8>}, {transform_indices = @transform_9, window_bounds = array<i64: 512, 512>}]} {
    %get3A = arith.constant 0 : index
    %get3A_0 = arith.constant 0 : index
    %get3A_1 = vector.load %arg1[%get3A, %get3A_0] : memref<512x1024xf32, #tpu.memory_space<vmem>>, vector<512x1024xf32>
    %get3A_2 = arith.constant 0 : index
    %get3A_3 = arith.constant 0 : index
    %get3A_4 = vector.load %arg2[%get3A_2, %get3A_3] : memref<1024x8xf32, #tpu.memory_space<vmem>>, vector<1024x8xf32>
    %dot_general3A = arith.constant dense<0.000000e+00> : vector<512x8xf32>
    %dot_general3A_5 = tpu.matmul %get3A_1, %get3A_4, %dot_general3A {dimension_numbers = #tpu.dot_dimension_numbers<[1], [0], [0], [1], [0, 0, 1, 1], [], []>, transpose_lhs_hint = false} : vector<512x1024xf32>, vector<1024x8xf32>, vector<512x8xf32> -> vector<512x8xf32>
    %get3A_6 = arith.constant 0 : index
    %get3A_7 = arith.constant 0 : index
    %get3A_8 = vector.load %arg3[%get3A_6, %get3A_7] : memref<1x8xf32, #tpu.memory_space<vmem>>, vector<1x8xf32>
    %add3A = vector.broadcast %get3A_8 : vector<1x8xf32> to vector<512x8xf32>
    %add3A_9 = arith.addf %dot_general3A_5, %add3A : vector<512x8xf32>
    %get3A_10 = arith.constant 0 : index
    %get3A_11 = arith.constant 0 : index
    %get3A_12 = vector.load %arg4[%get3A_10, %get3A_11] : memref<512x8xf32, #tpu.memory_space<vmem>>, vector<512x8xf32>
    %add3A_13 = arith.addf %add3A_9, %get3A_12 : vector<512x8xf32>
    %reduce_max3A = arith.constant dense<0xFF800000> : vector<512xf32>
    %reduce_max3A_14 = vector.multi_reduction <maximumf>, %add3A_13, %reduce_max3A [1] : vector<512x8xf32> to vector<512xf32>
    %broadcast_in_dim3A = vector.shape_cast %reduce_max3A_14 : vector<512xf32> to vector<512x1xf32>
    %sub3A = vector.broadcast %broadcast_in_dim3A : vector<512x1xf32> to vector<512x8xf32>
    %sub3A_15 = arith.subf %add3A_13, %sub3A : vector<512x8xf32>
    %exp3A = math.exp %sub3A_15 : vector<512x8xf32>
    %reduce_sum3A = arith.constant dense<0.000000e+00> : vector<512xf32>
    %reduce_sum3A_16 = vector.multi_reduction <add>, %exp3A, %reduce_sum3A [1] : vector<512x8xf32> to vector<512xf32>
    %broadcast_in_dim3A_17 = vector.shape_cast %reduce_sum3A_16 : vector<512xf32> to vector<512x1xf32>
    %div3A = vector.broadcast %broadcast_in_dim3A_17 : vector<512x1xf32> to vector<512x8xf32>
    %div3A_18 = arith.divf %exp3A, %div3A : vector<512x8xf32>
    %reduce_max3A_19 = arith.constant dense<0xFF800000> : vector<512xf32>
    %reduce_max3A_20 = vector.multi_reduction <maximumf>, %div3A_18, %reduce_max3A_19 [1] : vector<512x8xf32> to vector<512xf32>
    %broadcast_in_dim3A_21 = vector.shape_cast %reduce_max3A_20 : vector<512xf32> to vector<512x1xf32>
    %iota3A = tpu.iota {dimensions = array<i32: 1>} : vector<512x8xi32>
    %eq3A = vector.broadcast %broadcast_in_dim3A_21 : vector<512x1xf32> to vector<512x8xf32>
    %eq3A_22 = arith.cmpf oeq, %div3A_18, %eq3A : vector<512x8xf32>
    %jit3A = arith.constant 8 : i32
    %broadcast_in_dim3A_23 = vector.broadcast %jit3A : i32 to vector<512x8xi32>
    %select_n3A = arith.select %eq3A_22, %iota3A, %broadcast_in_dim3A_23 : vector<512x8xi1>, vector<512x8xi32>
    %reduce_min3A = arith.constant dense<2147483647> : vector<512xi32>
    %reduce_min3A_24 = vector.multi_reduction <minsi>, %select_n3A, %reduce_min3A [1] : vector<512x8xi32> to vector<512xi32>
    %reduce_max3A_25 = arith.constant dense<0xFF800000> : vector<512xf32>
    %reduce_max3A_26 = vector.multi_reduction <maximumf>, %div3A_18, %reduce_max3A_25 [1] : vector<512x8xf32> to vector<512xf32>
    %add3A_27 = arith.constant 1.000000e+00 : f32
    %add3A_28 = vector.broadcast %add3A_27 : f32 to vector<512xf32>
    %add3A_29 = arith.addf %add3A_28, %reduce_max3A_26 : vector<512xf32>
    %sub3A_30 = arith.subf %add3A_29, %reduce_max3A_26 : vector<512xf32>
    %broadcast_in_dim3A_31 = vector.shape_cast %reduce_min3A_24 : vector<512xi32> to vector<512x1xi32>
    %eq3A_32 = vector.broadcast %broadcast_in_dim3A_31 : vector<512x1xi32> to vector<512x8xi32>
    %eq3A_33 = arith.cmpi eq, %eq3A_32, %iota3A : vector<512x8xi32>
    %convert_element_type3A = arith.extui %eq3A_33 : vector<512x8xi1> to vector<512x8xi32>
    %convert_element_type3A_34 = arith.sitofp %convert_element_type3A : vector<512x8xi32> to vector<512x8xf32>
    %convert_element_type3A_35 = arith.truncf %convert_element_type3A_34 : vector<512x8xf32> to vector<512x8xbf16>
    %convert_element_type3A_36 = arith.extf %convert_element_type3A_35 : vector<512x8xbf16> to vector<512x8xf32>
    %get3A_37 = arith.constant 0 : index
    %get3A_38 = arith.constant 0 : index
    %get3A_39 = vector.load %arg5[%get3A_37, %get3A_38] : memref<512x512xbf16, #tpu.memory_space<vmem>>, vector<512x512xbf16>
    %dot_general3A_40 = arith.constant dense<0.000000e+00> : vector<512x8xf32>
    %dot_general3A_41 = tpu.matmul %get3A_39, %convert_element_type3A_35, %dot_general3A_40 {dimension_numbers = #tpu.dot_dimension_numbers<[1], [0], [0], [1], [0, 0, 1, 1], [], []>, transpose_lhs_hint = false} : vector<512x512xbf16>, vector<512x8xbf16>, vector<512x8xf32> -> vector<512x8xf32>
    %mul3A = arith.mulf %dot_general3A_41, %convert_element_type3A_36 : vector<512x8xf32>
    %reduce_sum3A_42 = arith.constant dense<0.000000e+00> : vector<512xf32>
    %reduce_sum3A_43 = vector.multi_reduction <add>, %mul3A, %reduce_sum3A_42 [1] : vector<512x8xf32> to vector<512xf32>
    %sub3A_44 = arith.constant 1.000000e+00 : f32
    %sub3A_45 = vector.broadcast %sub3A_44 : f32 to vector<512xf32>
    %sub3A_46 = arith.subf %reduce_sum3A_43, %sub3A_45 : vector<512xf32>
    %eq3A_47 = arith.constant 0 : i32
    %eq3A_48 = arith.cmpi eq, %arg0, %eq3A_47 : i32
    %convert_element_type3A_49 = arith.extui %eq3A_48 : i1 to i32
    %cond3A = arith.constant 0 : i32
    %cond3A_50 = arith.cmpi ne, %convert_element_type3A_49, %cond3A : i32
    scf.if %cond3A_50 {
      %broadcast_in_dim3A_94 = arith.constant 0.000000e+00 : f32
      %broadcast_in_dim3A_95 = vector.broadcast %broadcast_in_dim3A_94 : f32 to vector<1x8xf32>
      %swap3A_96 = arith.constant 0 : index
      %swap3A_97 = arith.constant 0 : index
      %swap3A_98 = vector.load %arg11[%swap3A_96, %swap3A_97] : memref<1x8xf32, #tpu.memory_space<vmem>>, vector<1x8xf32>
      tpu.vector_store %arg11[%swap3A_96, %swap3A_97], %broadcast_in_dim3A_95 {strides = array<i32>} : memref<1x8xf32, #tpu.memory_space<vmem>>, vector<1x8xf32>,
    } else {
    }
    %get3A_51 = arith.constant 0 : index
    %get3A_52 = arith.constant 0 : index
    %get3A_53 = vector.load %arg11[%get3A_51, %get3A_52] : memref<1x8xf32, #tpu.memory_space<vmem>>, vector<1x8xf32>
    %mul3A_54 = vector.broadcast %get3A_53 : vector<1x8xf32> to vector<512x8xf32>
    %mul3A_55 = arith.mulf %convert_element_type3A_36, %mul3A_54 : vector<512x8xf32>
    %reduce_sum3A_56 = arith.constant dense<0.000000e+00> : vector<512xf32>
    %reduce_sum3A_57 = vector.multi_reduction <add>, %mul3A_55, %reduce_sum3A_56 [1] : vector<512x8xf32> to vector<512xf32>
    %add3A_58 = arith.addf %sub3A_46, %reduce_sum3A_57 : vector<512xf32>
    %reduce_sum3A_59 = arith.constant dense<0.000000e+00> : vector<8xf32>
    %reduce_sum3A_60 = vector.multi_reduction <add>, %convert_element_type3A_36, %reduce_sum3A_59 [0] : vector<512x8xf32> to vector<8xf32>
    %broadcast_in_dim3A_61 = vector.shape_cast %reduce_sum3A_60 : vector<8xf32> to vector<1x8xf32>
    %add3A_62 = arith.addf %get3A_53, %broadcast_in_dim3A_61 : vector<1x8xf32>
    %swap3A = arith.constant 0 : index
    %swap3A_63 = arith.constant 0 : index
    %swap3A_64 = vector.load %arg11[%swap3A, %swap3A_63] : memref<1x8xf32, #tpu.memory_space<vmem>>, vector<1x8xf32>
    tpu.vector_store %arg11[%swap3A, %swap3A_63], %add3A_62 {strides = array<i32>} : memref<1x8xf32, #tpu.memory_space<vmem>>, vector<1x8xf32>,
    %swap3A_65 = arith.constant 0 : index
    %swap3A_66 = arith.constant 0 : index
    %swap3A_67 = vector.load %arg9[%swap3A_65, %swap3A_66] : memref<1x8xf32, #tpu.memory_space<vmem>>, vector<1x8xf32>
    tpu.vector_store %arg9[%swap3A_65, %swap3A_66], %add3A_62 {strides = array<i32>} : memref<1x8xf32, #tpu.memory_space<vmem>>, vector<1x8xf32>,
    %broadcast_in_dim3A_68 = vector.shape_cast %reduce_min3A_24 : vector<512xi32> to vector<512x1xi32>
    %swap3A_69 = arith.constant 0 : index
    %swap3A_70 = arith.constant 0 : index
    %swap3A_71 = vector.load %arg6[%swap3A_69, %swap3A_70] : memref<512x1xi32, #tpu.memory_space<vmem>>, vector<512x1xi32>
    tpu.vector_store %arg6[%swap3A_69, %swap3A_70], %broadcast_in_dim3A_68 {strides = array<i32>} : memref<512x1xi32, #tpu.memory_space<vmem>>, vector<512x1xi32>,
    %broadcast_in_dim3A_72 = vector.shape_cast %sub3A_30 : vector<512xf32> to vector<512x1xf32>
    %swap3A_73 = arith.constant 0 : index
    %swap3A_74 = arith.constant 0 : index
    %swap3A_75 = vector.load %arg7[%swap3A_73, %swap3A_74] : memref<512x1xf32, #tpu.memory_space<vmem>>, vector<512x1xf32>
    tpu.vector_store %arg7[%swap3A_73, %swap3A_74], %broadcast_in_dim3A_72 {strides = array<i32>} : memref<512x1xf32, #tpu.memory_space<vmem>>, vector<512x1xf32>,
    %convert_element_type3A_76 = arith.fptosi %add3A_58 : vector<512xf32> to vector<512xi32>
    %broadcast_in_dim3A_77 = vector.shape_cast %convert_element_type3A_76 : vector<512xi32> to vector<512x1xi32>
    %swap3A_78 = arith.constant 0 : index
    %swap3A_79 = arith.constant 0 : index
    %swap3A_80 = vector.load %arg8[%swap3A_78, %swap3A_79] : memref<512x1xi32, #tpu.memory_space<vmem>>, vector<512x1xi32>
    tpu.vector_store %arg8[%swap3A_78, %swap3A_79], %broadcast_in_dim3A_77 {strides = array<i32>} : memref<512x1xi32, #tpu.memory_space<vmem>>, vector<512x1xi32>,
    %get3A_81 = arith.constant 0 : index
    %get3A_82 = arith.constant 0 : index
    %get3A_83 = vector.load %arg1[%get3A_81, %get3A_82] : memref<512x1024xf32, #tpu.memory_space<vmem>>, vector<512x1024xf32>
    %convert_element_type3A_84 = arith.truncf %get3A_83 : vector<512x1024xf32> to vector<512x1024xbf16>
    %slice3A = vector.extract_strided_slice %convert_element_type3A_84 {offsets = [0, 0], sizes = [512, 512], strides = [1, 1]} : vector<512x1024xbf16> to vector<512x512xbf16>
    %bitcast_convert_type3A = tpu.bitcast %slice3A : vector<512x512xbf16> -> vector<512x512xi16>
    %convert_element_type3A_85 = arith.extui %bitcast_convert_type3A : vector<512x512xi16> to vector<512x512xi32>
    %slice3A_86 = vector.extract_strided_slice %convert_element_type3A_84 {offsets = [0, 512], sizes = [512, 512], strides = [1, 1]} : vector<512x1024xbf16> to vector<512x512xbf16>
    %bitcast_convert_type3A_87 = tpu.bitcast %slice3A_86 : vector<512x512xbf16> -> vector<512x512xi16>
    %convert_element_type3A_88 = arith.extui %bitcast_convert_type3A_87 : vector<512x512xi16> to vector<512x512xi32>
    %shift_left3A = arith.constant 16 : i32
    %shift_left3A_89 = vector.broadcast %shift_left3A : i32 to vector<512x512xi32>
    %shift_left3A_90 = arith.shli %convert_element_type3A_88, %shift_left3A_89 : vector<512x512xi32>
    %or3A = arith.ori %shift_left3A_90, %convert_element_type3A_85 : vector<512x512xi32>
    %swap3A_91 = arith.constant 0 : index
    %swap3A_92 = arith.constant 0 : index
    %swap3A_93 = vector.load %arg10[%swap3A_91, %swap3A_92] : memref<512x512xi32, #tpu.memory_space<vmem>>, vector<512x512xi32>
    tpu.vector_store %arg10[%swap3A_91, %swap3A_92], %or3A {strides = array<i32>} : memref<512x512xi32, #tpu.memory_space<vmem>>, vector<512x512xi32>,
    return
  }
  func.func @transform_0(%arg0: i32) -> (i32, i32) {
    %c0_i32 = arith.constant 0 : i32
    %c0_i32_0 = arith.constant 0 : i32
    return %arg0, %c0_i32 : i32, i32
  }
  func.func @transform_1(%arg0: i32) -> (i32, i32) {
    %c0_i32 = arith.constant 0 : i32
    %c0_i32_0 = arith.constant 0 : i32
    %c0_i32_1 = arith.constant 0 : i32
    return %c0_i32, %c0_i32_0 : i32, i32
  }
  func.func @transform_2(%arg0: i32) -> (i32, i32) {
    %c0_i32 = arith.constant 0 : i32
    %c0_i32_0 = arith.constant 0 : i32
    %c0_i32_1 = arith.constant 0 : i32
    return %c0_i32, %c0_i32_0 : i32, i32
  }
  func.func @transform_3(%arg0: i32) -> (i32, i32) {
    %c0_i32 = arith.constant 0 : i32
    %c0_i32_0 = arith.constant 0 : i32
    return %arg0, %c0_i32 : i32, i32
  }
  func.func @transform_4(%arg0: i32) -> (i32, i32) {
    %c0_i32 = arith.constant 0 : i32
    %c0_i32_0 = arith.constant 0 : i32
    %c0_i32_1 = arith.constant 0 : i32
    return %c0_i32, %c0_i32_0 : i32, i32
  }
  func.func @transform_5(%arg0: i32) -> (i32, i32) {
    %c0_i32 = arith.constant 0 : i32
    %c0_i32_0 = arith.constant 0 : i32
    return %arg0, %c0_i32 : i32, i32
  }
  func.func @transform_6(%arg0: i32) -> (i32, i32) {
    %c0_i32 = arith.constant 0 : i32
    %c0_i32_0 = arith.constant 0 : i32
    return %arg0, %c0_i32 : i32, i32
  }
  func.func @transform_7(%arg0: i32) -> (i32, i32) {
    %c0_i32 = arith.constant 0 : i32
    %c0_i32_0 = arith.constant 0 : i32
    return %arg0, %c0_i32 : i32, i32
  }
  func.func @transform_8(%arg0: i32) -> (i32, i32) {
    %c0_i32 = arith.constant 0 : i32
    %c0_i32_0 = arith.constant 0 : i32
    %c0_i32_1 = arith.constant 0 : i32
    return %c0_i32, %c0_i32_0 : i32, i32
  }
  func.func @transform_9(%arg0: i32) -> (i32, i32) {
    %c0_i32 = arith.constant 0 : i32
    %c0_i32_0 = arith.constant 0 : i32
    return %arg0, %c0_i32 : i32, i32
  }
}

module attributes {stable_mosaic.version = 14 : i64} {
  func.func @_expert_body(%arg0: i32, %arg1: memref<40xi32, #tpu.memory_space<smem>>, %arg2: memref<256x512xi32, #tpu.memory_space<vmem>>, %arg3: memref<1x1024x1024xf32, #tpu.memory_space<vmem>>, %arg4: memref<1x1x1024xf32, #tpu.memory_space<vmem>>, %arg5: memref<1x1024x1xf32, #tpu.memory_space<vmem>>, %arg6: memref<1x1x1xf32, #tpu.memory_space<vmem>>, %arg7: memref<256x1xf32, #tpu.memory_space<vmem>>) attributes {dimension_semantics = [#tpu.dimension_semantics<arbitrary>], iteration_bounds = array<i64: 40>, scalar_prefetch = 1 : i64, scratch_operands = 0 : i64, tpu.core_type = #tpu.core_type<tc>, window_params = [{transform_indices = @transform_0, window_bounds = array<i64: 256, 512>}, {transform_indices = @transform_1, window_bounds = array<i64: 1, 1024, 1024>}, {transform_indices = @transform_2, window_bounds = array<i64: 1, 1, 1024>}, {transform_indices = @transform_3, window_bounds = array<i64: 1, 1024, 1>}, {transform_indices = @transform_4, window_bounds = array<i64: 1, 1, 1>}, {transform_indices = @transform_5, window_bounds = array<i64: 256, 1>}]} {
    %get3A = arith.constant 0 : index
    %get3A_0 = arith.constant 0 : index
    %get3A_1 = vector.load %arg2[%get3A, %get3A_0] : memref<256x512xi32, #tpu.memory_space<vmem>>, vector<256x512xi32>
    %and3A = arith.constant 65535 : i32
    %and3A_2 = vector.broadcast %and3A : i32 to vector<256x512xi32>
    %and3A_3 = arith.andi %get3A_1, %and3A_2 : vector<256x512xi32>
    %convert_element_type3A = arith.trunci %and3A_3 : vector<256x512xi32> to vector<256x512xi16>
    %bitcast_convert_type3A = tpu.bitcast %convert_element_type3A : vector<256x512xi16> -> vector<256x512xbf16>
    %shift_right_arithmetic3A = arith.constant 16 : i32
    %shift_right_arithmetic3A_4 = vector.broadcast %shift_right_arithmetic3A : i32 to vector<256x512xi32>
    %shift_right_arithmetic3A_5 = arith.shrsi %get3A_1, %shift_right_arithmetic3A_4 : vector<256x512xi32>
    %convert_element_type3A_6 = arith.trunci %shift_right_arithmetic3A_5 : vector<256x512xi32> to vector<256x512xi16>
    %bitcast_convert_type3A_7 = tpu.bitcast %convert_element_type3A_6 : vector<256x512xi16> -> vector<256x512xbf16>
    %get3A_8 = arith.constant 0 : index
    %get3A_9 = arith.constant 0 : index
    %get3A_10 = arith.constant 0 : index
    %get3A_11 = vector.load %arg3[%get3A_8, %get3A_9, %get3A_10] : memref<1x1024x1024xf32, #tpu.memory_space<vmem>>, vector<1x512x1024xf32>
    %get3A_12 = vector.shape_cast %get3A_11 : vector<1x512x1024xf32> to vector<512x1024xf32>
    %dot_general3A = arith.constant dense<0.000000e+00> : vector<256x1024xf32>
    %dot_general3A_13 = tpu.matmul %bitcast_convert_type3A, %get3A_12, %dot_general3A {dimension_numbers = #tpu.dot_dimension_numbers<[1], [0], [0], [1], [0, 0, 1, 1], [], []>, transpose_lhs_hint = false} : vector<256x512xbf16>, vector<512x1024xf32>, vector<256x1024xf32> -> vector<256x1024xf32>
    %get3A_14 = arith.constant 0 : index
    %get3A_15 = arith.constant 512 : index
    %get3A_16 = arith.constant 0 : index
    %get3A_17 = vector.load %arg3[%get3A_14, %get3A_15, %get3A_16] : memref<1x1024x1024xf32, #tpu.memory_space<vmem>>, vector<1x512x1024xf32>
    %get3A_18 = vector.shape_cast %get3A_17 : vector<1x512x1024xf32> to vector<512x1024xf32>
    %dot_general3A_19 = arith.constant dense<0.000000e+00> : vector<256x1024xf32>
    %dot_general3A_20 = tpu.matmul %bitcast_convert_type3A_7, %get3A_18, %dot_general3A_19 {dimension_numbers = #tpu.dot_dimension_numbers<[1], [0], [0], [1], [0, 0, 1, 1], [], []>, transpose_lhs_hint = false} : vector<256x512xbf16>, vector<512x1024xf32>, vector<256x1024xf32> -> vector<256x1024xf32>
    %add3A = arith.addf %dot_general3A_13, %dot_general3A_20 : vector<256x1024xf32>
    %get3A_21 = arith.constant 0 : index
    %get3A_22 = arith.constant 0 : index
    %get3A_23 = arith.constant 0 : index
    %get3A_24 = vector.load %arg4[%get3A_21, %get3A_22, %get3A_23] : memref<1x1x1024xf32, #tpu.memory_space<vmem>>, vector<1x1x1024xf32>
    %get3A_25 = vector.shape_cast %get3A_24 : vector<1x1x1024xf32> to vector<1x1024xf32>
    %add3A_26 = vector.broadcast %get3A_25 : vector<1x1024xf32> to vector<256x1024xf32>
    %add3A_27 = arith.addf %add3A, %add3A_26 : vector<256x1024xf32>
    %max3A = arith.constant 0.000000e+00 : f32
    %max3A_28 = vector.broadcast %max3A : f32 to vector<256x1024xf32>
    %max3A_29 = arith.maximumf %add3A_27, %max3A_28 : vector<256x1024xf32>
    %get3A_30 = arith.constant 0 : index
    %get3A_31 = arith.constant 0 : index
    %get3A_32 = arith.constant 0 : index
    %get3A_33 = vector.load %arg5[%get3A_30, %get3A_31, %get3A_32] : memref<1x1024x1xf32, #tpu.memory_space<vmem>>, vector<1x1024x1xf32>
    %get3A_34 = vector.shape_cast %get3A_33 : vector<1x1024x1xf32> to vector<1024x1xf32>
    %dot_general3A_35 = arith.constant dense<0.000000e+00> : vector<256x1xf32>
    %dot_general3A_36 = tpu.matmul %max3A_29, %get3A_34, %dot_general3A_35 {dimension_numbers = #tpu.dot_dimension_numbers<[1], [0], [0], [1], [0, 0, 1, 1], [], []>, transpose_lhs_hint = false} : vector<256x1024xf32>, vector<1024x1xf32>, vector<256x1xf32> -> vector<256x1xf32>
    %get3A_37 = arith.constant 0 : index
    %get3A_38 = arith.constant 0 : index
    %get3A_39 = arith.constant 0 : index
    %get3A_40 = vector.load %arg6[%get3A_37, %get3A_38, %get3A_39] : memref<1x1x1xf32, #tpu.memory_space<vmem>>, vector<1x1x1xf32>
    %get3A_41 = vector.extract %get3A_40[0, 0, 0] : f32 from vector<1x1x1xf32>
    %add3A_42 = vector.broadcast %get3A_41 : f32 to vector<256x1xf32>
    %add3A_43 = arith.addf %dot_general3A_36, %add3A_42 : vector<256x1xf32>
    %swap3A = arith.constant 0 : index
    %swap3A_44 = arith.constant 0 : index
    %swap3A_45 = vector.load %arg7[%swap3A, %swap3A_44] : memref<256x1xf32, #tpu.memory_space<vmem>>, vector<256x1xf32>
    tpu.vector_store %arg7[%swap3A, %swap3A_44], %add3A_43 {strides = array<i32>} : memref<256x1xf32, #tpu.memory_space<vmem>>, vector<256x1xf32>,
    return
  }
  func.func @transform_0(%arg0: i32, %arg1: memref<40xi32, #tpu.memory_space<smem>>) -> (i32, i32) {
    %c0_i32 = arith.constant 0 : i32
    %c0_i32_0 = arith.constant 0 : i32
    return %arg0, %c0_i32 : i32, i32
  }
  func.func @transform_1(%arg0: i32, %arg1: memref<40xi32, #tpu.memory_space<smem>>) -> (i32, i32, i32) {
    %get3A = arith.index_cast %arg0 : i32 to index
    %get3A_0 = memref.load %arg1[%get3A] : memref<40xi32, #tpu.memory_space<smem>>
    %c0_i32 = arith.constant 0 : i32
    %c0_i32_1 = arith.constant 0 : i32
    %c0_i32_2 = arith.constant 0 : i32
    return %get3A_0, %c0_i32, %c0_i32_1 : i32, i32, i32
  }
  func.func @transform_2(%arg0: i32, %arg1: memref<40xi32, #tpu.memory_space<smem>>) -> (i32, i32, i32) {
    %get3A = arith.index_cast %arg0 : i32 to index
    %get3A_0 = memref.load %arg1[%get3A] : memref<40xi32, #tpu.memory_space<smem>>
    %c0_i32 = arith.constant 0 : i32
    %c0_i32_1 = arith.constant 0 : i32
    %c0_i32_2 = arith.constant 0 : i32
    return %get3A_0, %c0_i32, %c0_i32_1 : i32, i32, i32
  }
  func.func @transform_3(%arg0: i32, %arg1: memref<40xi32, #tpu.memory_space<smem>>) -> (i32, i32, i32) {
    %get3A = arith.index_cast %arg0 : i32 to index
    %get3A_0 = memref.load %arg1[%get3A] : memref<40xi32, #tpu.memory_space<smem>>
    %c0_i32 = arith.constant 0 : i32
    %c0_i32_1 = arith.constant 0 : i32
    %c0_i32_2 = arith.constant 0 : i32
    return %get3A_0, %c0_i32, %c0_i32_1 : i32, i32, i32
  }
  func.func @transform_4(%arg0: i32, %arg1: memref<40xi32, #tpu.memory_space<smem>>) -> (i32, i32, i32) {
    %get3A = arith.index_cast %arg0 : i32 to index
    %get3A_0 = memref.load %arg1[%get3A] : memref<40xi32, #tpu.memory_space<smem>>
    %c0_i32 = arith.constant 0 : i32
    %c0_i32_1 = arith.constant 0 : i32
    %c0_i32_2 = arith.constant 0 : i32
    return %get3A_0, %c0_i32, %c0_i32_1 : i32, i32, i32
  }
  func.func @transform_5(%arg0: i32, %arg1: memref<40xi32, #tpu.memory_space<smem>>) -> (i32, i32) {
    %c0_i32 = arith.constant 0 : i32
    %c0_i32_0 = arith.constant 0 : i32
    return %arg0, %c0_i32 : i32, i32
  }
}

</mosaic_0001>

<sc_bundles>
// kernel: gather_offload_async_start
scs
__scs_entry_jumppad:
0x0: {  	(pc) =	sbr.rel $0x88, $3  }
0x1: {  	(tag) =	ssettag $0x0;
	lr =	simm.s32 $0x1  }
0x2: {  	[smem:$0x3F9A] =	sst lr;
	_ =	strace $0xD0000000  }
0x3: {  	_ = 	snop  }
0x4: {  	_ = 	snop  }
0x5: {  	_ = 	snop  }
0x6: {  	_ = 	snop  }
0x7: {  	_ = 	snop  }
__scs_overlays_trampoline_lowered:
0x8: {  	[smem:$0x3FA9] =	sst s0  }
0x9: {  	[smem:$0x3FAA] =	sst s1  }
0xa: {  	[smem:$0x3FAB] =	sst s2  }
0xb: {  	[smem:$0x3FAC] =	sst s3  }
0xc: {  	[smem:$0x3FAD] =	sst s4  }
0xd: {  	[smem:$0x3FAE] =	sst s5  }
0xe: {  	[smem:$0x3FAF] =	sst s6  }
0xf: {  	[smem:$0x3FB0] =	sst s7  }
0x10: {  	[smem:$0x3FB1] =	sst s8  }
0x11: {  	[smem:$0x3FB2] =	sst s9;
	s0 =	simm.s32 @!p0 $0x0  }
0x12: {  	s1 =	sld [smem:$0x3F98];
	s0 =	simm.s32 @p0 $0x1  }
0x13: {  	[smem:$0x3FB3] =	sst s0;
	s0 =	simm.s32 @!p1 $0x0  }
0x14: {  	s2 =	sld [smem:$0x3F97];
	s0 =	simm.s32 @p1 $0x1  }
0x15: {  	[smem:$0x3FB4] =	sst s0;
	s0 =	simm.s32 @!p2 $0x0  }
0x16: {  	s3 =	sld [smem:$0x3FDB];
	s0 =	simm.s32 @p2 $0x1  }
0x17: {  	s4 =	simm.s32 $0x1BF5;
	[smem:$0x3FB6] =	sst s0  }
0x18: {  	s0 =	sld [smem:$0x3F99];
	_ =	swait.ge [sflag:s4], $0x0  }
0x19: {  	s7 =	sld [smem:$0x3F9A]  }
0x1a: {  	s8 =	sadd.s32 $0xFFFFE003, lr  }
0x1b: {  	s9 =	sadd.s32 $0xFFFFFEF7, lr;
	s5 =	simm.s32 $0xFFFFFFFF;
	p2 =	slt.u32 s8, $0xFFFFF086  }
0x1c: {  	p1 =	slt.u32 s9, $0xF7A;
	s5 =	simm.s32 @!p2 $0x0  }
0x1d: {  	s5 =	simm.s32 @p1 $0x1;
	p0 =	seq.s32 s7, s2  }
0x1e: {  	s7 =	smul.u32 @!p0 $0xF7A, s2;
	p2 =	seq.s32 @!p0 s5, $0x0  }
0x1f: {  	s9 =	smul.u32 $0xF7A, s1;
	s8 =	simm.s32 @!p0 $0x1BF5;
	p2 =	por !p2, p0  }
0x20: {  	[sflag:s8] =	ssyncset.s32 @!p0 $0xFFFFF086;
	s6 =	sadd.s32 @!p0 s3, s7;
	s7 =	simm.s32 @!p0 $0x108  }
0x21: {  	s3 =	sadd.s32 s3, s9;
	s6 =	sadd.s32 @!p0 $0x88, s6;
	s7 =	simm.s32 @p2 $0x1082  }
0x22: {  	[simem:s7], [sflag:s8] =	dma.local @!p0 [hbm:s6], $0xF7A  }
0x23: {  	s9 =	sor.u32 $0xD0000000, s2;
	s6 =	simm.s32 $0x108;
	_ =	swait.ge @!p0 [sflag:s8], $0x0  }
0x24: {  	s3 =	sadd.s32 $0x88, s3;
	s6 =	simm.s32 @!p1 $0x1082;
	[sflag:s4] =	ssyncset.s32 $0xFFFFF086  }
0x25: {  	[simem:s6], [sflag:s4] =	dma.local [hbm:s3], $0xF7A  }
0x26: {  	[smem:$0x3F9A] =	sst s1;
	(tag) =	ssettag s2;
	_ =	strace s9  }
0x27: {  	s1 =	sld [smem:$0x3FAA]  }
0x28: {  	s2 =	sld [smem:$0x3FAB]  }
0x29: {  	s4 =	sld [smem:$0x3FAD]  }
0x2a: {  	p0 =	seq.s32 s5, $0x0;
	s5 =	sld [smem:$0x3FAE]  }
0x2b: {  	s6 =	sld [smem:$0x3FAF]  }
0x2c: {  	s7 =	sld [smem:$0x3FB0]  }
0x2d: {  	s3 =	simm.s32 $0x108;
	s8 =	sld [smem:$0x3FB1]  }
0x2e: {  	s3 =	simm.s32 @!p0 $0x1082;
	s9 =	sld [smem:$0x3FB2]  }
0x2f: {  	lr =	sadd.s32 s0, s3;
	s0 =	sld [smem:$0x3FA9]  }
0x30: {  	s3 =	sld [smem:$0x3FAC]  }
0x31: {  	[smem:$0x3FB5] =	sst s10  }
0x32: {  	s10 =	sld [smem:$0x3FB3];
	_ =	sdelay $0x3  }
0x33: {  	p0 =	seq.s32 s10, $0x1;
	s10 =	sld [smem:$0x3FB5];
	_ =	sdelay $0x3  }
0x34: {  	[smem:$0x3FB5] =	sst s10  }
0x35: {  	s10 =	sld [smem:$0x3FB4];
	_ =	sdelay $0x3  }
0x36: {  	p1 =	seq.s32 s10, $0x1;
	s10 =	sld [smem:$0x3FB5];
	_ =	sdelay $0x3  }
0x37: {  	[smem:$0x3FB5] =	sst s10  }
0x38: {  	s10 =	sld [smem:$0x3FB6]  }
0x39: {  	_ = 	snop;
	(pc) =	sbr.ind lr, $3  }
0x3a: {  	_ = 	snop  }
0x3b: {  	_ = 	snop  }
0x3c: {  	p2 =	seq.s32 s10, $0x1;
	s10 =	sld [smem:$0x3FB5]  }
0x3d: {  	_ =	shalt  }
0x3e: {  	_ =	shalt  }
0x3f: {  	_ =	shalt  }
0x40: {  	_ =	shalt  }
0x41: {  	_ =	shalt  }
0x42: {  	_ =	shalt  }
0x43: {  	_ =	shalt  }
0x44: {  	_ =	shalt  }
0x45: {  	_ =	shalt  }
0x46: {  	_ =	shalt  }
0x47: {  	_ =	shalt  }
0x48: {  	_ =	shalt  }
0x49: {  	_ =	shalt  }
0x4a: {  	_ =	shalt  }
0x4b: {  	_ =	shalt  }
0x4c: {  	_ =	shalt  }
0x4d: {  	_ =	shalt  }
0x4e: {  	_ =	shalt  }
0x4f: {  	_ =	shalt  }
0x50: {  	_ =	shalt  }
0x51: {  	_ =	shalt  }
0x52: {  	_ =	shalt  }
0x53: {  	_ =	shalt  }
0x54: {  	_ =	shalt  }
0x55: {  	_ =	shalt  }
0x56: {  	_ =	shalt  }
0x57: {  	_ =	shalt  }
0x58: {  	_ =	shalt  }
0x59: {  	_ =	shalt  }
0x5a: {  	_ =	shalt  }
0x5b: {  	_ =	shalt  }
0x5c: {  	_ =	shalt  }
0x5d: {  	_ =	shalt  }
0x5e: {  	_ =	shalt  }
0x5f: {  	_ =	shalt  }
0x60: {  	_ =	shalt  }
0x61: {  	_ =	shalt  }
0x62: {  	_ =	shalt  }
0x63: {  	_ =	shalt  }
0x64: {  	_ =	shalt  }
0x65: {  	_ =	shalt  }
0x66: {  	_ =	shalt  }
0x67: {  	_ =	shalt  }
0x68: {  	_ =	shalt  }
0x69: {  	_ =	shalt  }
0x6a: {  	_ =	shalt  }
0x6b: {  	_ =	shalt  }
0x6c: {  	_ =	shalt  }
0x6d: {  	_ =	shalt  }
0x6e: {  	_ =	shalt  }
0x6f: {  	_ =	shalt  }
0x70: {  	_ =	shalt  }
0x71: {  	_ =	shalt  }
0x72: {  	_ =	shalt  }
0x73: {  	_ =	shalt  }
0x74: {  	_ =	shalt  }
0x75: {  	_ =	shalt  }
0x76: {  	_ =	shalt  }
0x77: {  	_ =	shalt  }
0x78: {  	_ =	shalt  }
0x79: {  	_ =	shalt  }
0x7a: {  	_ =	shalt  }
0x7b: {  	_ =	shalt  }
0x7c: {  	_ =	shalt  }
0x7d: {  	_ =	shalt  }
0x7e: {  	_ =	shalt  }
0x7f: {  	_ =	shalt  }
0x80: {  	_ =	shalt  }
0x81: {  	_ =	shalt  }
0x82: {  	_ =	shalt  }
0x83: {  	_ =	shalt  }
0x84: {  	_ =	shalt  }
0x85: {  	_ =	shalt  }
0x86: {  	_ =	shalt  }
0x87: {  	_ =	shalt  }
.Lfunc_end0:
.L_simem_size_0:
called_computation_lowered:
.L_overlay_start_0:
0x88: {  	s2 =	sld [smem:$0x3FD9]  }
0x89: {  	s3 =	sld [smem:$0x3FFE];
	_ =	sdelay $0x1  }
0x8a: {  	s1 =	srdreg.scid  }
0x8b: {  	s0 =	sand.u32 $0x1, s1  }
0x8c: {  	s17 =	sshll.u32 s0, $0xA;
	s2 =	sadd.s32 s3, s2  }
0x8d: {  	s2 =	sadd.s32 s2, s17  }
0x8e: {  	[smem:$0x3FC1] =	sst s2  }
0x8f: {  	_ = 	snop  }
0x90: {  	s2 =	sld [smem:$0x3FD0];
	(tm) =	ssettm $0x1  }
0x91: {  	s18 =	sld [smem:$0x3FFB];
	_ =	sdelay $0x3  }
0x92: {  	_ =	strace s18  }
0x93: {  	s3 =	sld [smem:$0x3FFC];
	_ =	sdelay $0x3  }
0x94: {  	_ =	strace s3  }
0x95: {  	s3 =	sld [smem:$0x3FFD];
	_ =	sdelay $0x3  }
0x96: {  	_ =	strace s3  }
0x97: {  	_ =	strace $0x8FFFFFFF  }
0x98: {  	s19 =	sld [smem:$0x3FDB];
	_ =	sdelay $0x1  }
0x99: {  	s4 =	simm.s32 $_scs_section_size  }
0x9a: {  	s5 =	simm.s32 $_size__tile_overlayer_lowered;
	s6 =	simm.s32 $_tile_overlayer_lowered  }
0x9b: {  	s22 =	simm.s32 $0x1BFF;
	s21 =	sshll.u32 s6, $0x1;
	s3 =	sadd.s32 s4, s19  }
0x9c: {  	s7 =	simm.s32 $0x0;
	s20 =	sshll.u32 s5, $0x1;
	s5 =	sadd.s32 s21, s3  }
0x9d: {  	[timem:s7], [sflag:s22] =	dma.local [hbm:s5], s20  }
0x9e: {  	_ =	swait.ge [sflag:s22], s20  }
0x9f: {  	s4 =	ssub.s32 $0x0, s20;
	[sflag:s22] =	ssyncset.done $0x0  }
0xa0: {  	[sflag:s22] =	ssyncadd.s32 s4;
	_ =	sdelay $0x1  }
0xa1: {  	s23 =	simm.s32 $0x1B8B  }
0xa2: {  	_ =	swait.ge [sflag:s23], $0x1  }
0xa3: {  	[sflag:s23] =	ssyncset.done $0x0  }
0xa4: {  	s25 =	simm.s32 $0x1B8E;
	s24 =	sld [smem:$0x3FFE];
	[sflag:s23] =	ssyncadd.s32 $0xFFFFFFFF  }
0xa5: {  	s26 =	simm.s32 $execute0_lowered;
	[smem:$0x3FD2] =	sst s25  }
0xa6: {  	s5 =	sshll.u32 s26, $0x1;
	_ =	strace $0x80000049;
	[dreg:$0x1] =	wrdreg $0xFFFFFFFF  }
0xa7: {  	s28 =	simm.s32 $_size_execute0_lowered;
	s3 =	sadd.s32 s3, s5;
	[dreg:$0x0] =	wrdreg $0x0  }
0xa8: {  	s5 =	sshll.u32 s28, $0x1;
	[dreg:$0x2] =	wrdreg s3  }
0xa9: {  	[dreg:$0x3] =	wrdreg s5  }
0xaa: {  	[dreg:$0x4] =	wrdreg $0xC0  }
0xab: {  	_ =	task [dreg:s7], $0x5FFFF  }
0xac: {  	[dreg:$0x1] =	wrdreg $0xFFFFFFFF  }
0xad: {  	[dreg:$0x0] =	wrdreg $0x60  }
0xae: {  	[dreg:$0x2] =	wrdreg s24  }
0xaf: {  	[dreg:$0x3] =	wrdreg s2  }
0xb0: {  	[dreg:$0x4] =	wrdreg $0x9  }
0xb1: {  	_ =	task.clear_ibuf [dreg:s7], $0x5FFFF;
	_ =	strace $0x90000049  }
0xb2: {  	s29 =	simm.s32 $0x9;
	_ =	strace $0x8000004B  }
0xb3: {  	_ =	swait.ge [sflag:s29], $0x1  }
0xb4: {  	[sflag:s29] =	ssyncadd.s32 $0xFFFFFFFF  }
0xb5: {  	_ =	strace $0x9000004B  }
0xb6: {  	_ =	sfence  }
0xb7: {  	s30 =	sld [smem:$0x0];
	_ =	sdelay $0x2  }
0xb8: {  	s31 =	sshll.u32 s1, $0xD;
	s1 =	sshrl.u32 s1, $0x2  }
0xb9: {  	s3 =	sand.u32 $0x4000, s31;
	s1 =	sadd.s32 s1, s30  }
0xba: {  	s0 =	sor.u32 s3, s0;
	s1 =	sshll.u32 s1, $0x11  }
0xbb: {  	s0 =	sor.u32 s1, s0  }
0xbc: {  	s0 =	sadd.s32 $0x8F2B, s0  }
0xbd: {  	[sflag:s0] =	ssyncadd.remote.s32 $0x1  }
0xbe: {  	_ =	sfence.sel $0xFFFF  }
0xbf: {  	[dreg:$0x0] =	wrdreg $0xFFFFFFFF;
	(pc) =	sbr.abs _section_cstart, $3  }
0xc0: {  	[dreg:$0x1] =	wrdreg $0xFFFFFFFF  }
0xc1: {  	_ =	task.clear_ibuf [dreg:s7], $0x2FFFF;
	_ =	strace $0x9FFFFFFF  }
0xc2: {  	(tm) =	ssettm $0x7FFFFFFF  }
0xc3: {  	_ =	shalt  }
tec
execute0_lowered:
.L_overlay_start_1:
0x0: {  	(tag) =	ssettag $0x1  }
0x1: {  	s1 =	srdreg.scid;
	s2 =	rddreg [dreg:$0x0]  }
0x2: {  	s0 =	stileid.u32;
	s3 =	rddreg [dreg:$0x1]  }
0x3: {  	s6 =	simm.s32 $0x1;
	s9 =	simm.s32 $0x1;
	s1 =	sshll.u32 s1, $0x7  }
0x4: {  	s10 =	simm.s32 $0x3;
	s4 =	sshll.u32 s0, $0x8;
	s5 =	sand.u32 $0x80, s1  }
0x5: {  	s13 =	simm.s32 $0x0;
	s12 =	simm.s32 $0x0;
	s4 =	sor.u32 s4, s5  }
0x6: {  	s1 =	rddreg [dreg:$0x2];
	_ =	strace $0x8000004A;
	s8 =	ssub.s32 $0x2000, s4  }
.Ltmp0:
0x7: {  	s5 =	sadd.s32 $0x28000, s2;
	s7 =	sand.u32 $0xF80, s8;
	(pc) =	sbr.rel .LBB2_1-.Ltmp0, $4  }
0x8: {  	[sflag:s6] =	ssyncpa.u1 $0x0;
	s11 =	smov.u32 s4;
	p0 =	sne.s32 s7, $0x0  }
0x9: {  	s8 =	sshrl.u32 s8, $0xC;
	s7 =	simm.s32 $0x2;
	s9 =	simm.s32 @!p0 $0x0  }
0xa: {  	[sflag:s7] =	ssyncpa.u1 $0x0;
	p0 =	por $0x0, $0x0;
	s8 =	sadd.s32 s9, s8  }
0xb: {  	vm0 =	vmmov $0xffff;
	v0 =	vimm.s32 $0x0;
	[sflag:s10] =	ssyncpa.u1 $0x0;
	s10 =	simm.s32 $0x0;
	s9 =	sadd.s32 $0x1, s8  }
.LBB2_4:
0xc: {  	v6 =	vshll.u32 v2, $0x7  }
0xd: {  	vm1 =	veq.s32 v2, $0x80000000;
	v2 =	vand.u32 $0x1FFF80, v6  }
0xe: {  	v2 =	vsel vm1, $0xFFFFFF80, v2  }
0xf: {  	v4 =	vor.u32 v5, v4;
	v61 =	vsel vm1, $0xFFFFFC00, v0;
	v60 =	vand.u32 $0xFFFFFC00, v2  }
0x10: {  	v3 =	vor.u32 v3, v4;
	v2 =	vand.u32 $0x380, v2;
	v62 =	vadd.s32 v61, v60  }
0x11: {  	v63 =	vsel vm1, $0x7F, v0;
	v2 =	vor.u32 v2, v62  }
0x12: {  	v2 =	vor.u32 v63, v2  }
0x13: {  	[tilespmem:s15], [sflag:$0x1] =	stream.indirect_vreg.gather [hbm4b:s2+s10], $0x1, v1, vm0, $0x4038;
	[tilespmem:$0x200] =	vst v63  }
0x14: {  	(ifvalue) =	ssetifvalue $0x7FFFFFFF  }
0x15: {  	[tilespmem:s16], [sflag:$0x1] =	stream.indirect_vreg.gather [hbm4b:s2+s10], $0x1, v3, vm0, $0x4038;
	[tilespmem:$0x200] =	vst v63  }
0x16: {  	s29 =	sadd.s32 $0x10, s16;
	(ifvalue) =	ssetifvalue $0x7FFFFFFF  }
0x17: {  	[tilespmem:s29], [sflag:$0x1] =	stream.indirect_vreg.gather [hbm4b:s2+s10], $0x1, v2, vm0, $0x4038;
	[tilespmem:$0x200] =	vst v63  }
0x18: {  	_ =	swait.ge [sflag:s6], $0x80  }
0x19: {  	s30 =	sshrl.u32 s13, $0x3;
	[sflag:s6] =	ssyncset.done $0x0  }
0x1a: {  	s31 =	sand.u32 $0x7, s13;
	s15 =	sadd.s32 s5, s30;
	[sflag:s6] =	ssyncadd.s32 $0xFFFFFF80  }
0x1b: {  	[hbm4b:s15+s31] =	stream.linear.scatter [tilespmem:s14], [sflag:$0x3], $0x80, $0x38;
	[tilespmem:$0x200] =	vst v63  }
.LBB2_5:
0x1c: {  	s15 =	sadd.s32 $0x1000, s11  }
0x1d: {  	p2 =	sgt.s32 s15, $0x1FFF  }
0x1e: {  	s15 =	smov.u32 @p2 s4;
	p2 =	sne.s32 s12, s9  }
.Ltmp1:
0x1f: {  	p1 =	slt.u32 s12, $0x2;
	(pc) =	sbr.rel @!p2 .LBB2_6-.Ltmp1, $4  }
0x20: {  	s14 =	simm.s32 @!p1 $0x3  }
0x21: {  	s16 =	sadd.s32 $0x1, s12;
	_ =	swait.ge @!p1 [sflag:s14], $0x80  }
0x22: {  	s13 =	smov.u32 s11;
	p0 =	por !p0, !p0;
	[sflag:s14] =	ssyncset.done @!p1 $0x0  }
0x23: {  	s12 =	smov.u32 s16;
	s11 =	smov.u32 s15;
	[sflag:s14] =	ssyncadd.s32 @!p1 $0xFFFFFF80  }
.LBB2_1:
0x24: {  	p1 =	sge.u32 s12, s8  }
0x25: {  	s14 =	sxor.u32 @!p1 $0xFFFFFFFF, s12  }
0x26: {  	s31 =	sadd.s32 $0xFFFFFFFF, s12;
	s15 =	sshrl.u32 @!p1 s11, $0x3;
	s14 =	sshll.u32 @!p1 s14, $0x7  }
0x27: {  	s16 =	sand.u32 @!p1 $0x7, s11;
	s15 =	sadd.s32 @!p1 s3, s15;
	s14 =	sand.u32 @!p1 $0x80, s14  }
0x28: {  	[tilespmem:s14], [sflag:$0x2] =	stream.linear.gather @!p1 [hbm4b:s15+s16], $0x80, $0x38;
	[tilespmem:$0x200] =	vst v63  }
0x29: {  	p1 =	sge.u32 s31, s8  }
.Ltmp2:
0x2a: {  	_ = 	snop;
	(pc) =	sbr.rel @p1 .LBB2_5-.Ltmp2, $1  }
0x2b: {  	_ =	sdelay $0x3  }
0x2c: {  	s14 =	simm.s32 $0x1  }
0x2d: {  	_ =	swait.ge [sflag:s7], $0x80;
	s14 =	simm.s32 @!p0 $0x0  }
0x2e: {  	[sflag:s7] =	ssyncset.done $0x0;
	s14 =	sshll.u32 s14, $0x7  }
0x2f: {  	[sflag:s7] =	ssyncadd.s32 $0xFFFFFF80;
	(ifvalue) =	ssetifvalue $0x7FFFFFFF;
	v1 =	vld.msk [tilespmem:s14+$0x0 ss:$0x1], $0xffff;
	_ =	sdelay $0x1  }
0x30: {  	s15 =	sadd.s32 $0x10, s14  }
0x31: {  	v2 =	vld.msk [tilespmem:s15+$0x0 ss:$0x1], $0xffff;
	_ =	sdelay $0x1  }
0x32: {  	v3 =	vshll.u32 v1, $0x7  }
0x33: {  	vm1 =	veq.s32 v1, $0x80000000;
	v1 =	vand.u32 $0x1FFF80, v3  }
0x34: {  	v1 =	vsel vm1, $0xFFFFFF80, v1  }
0x35: {  	v4 =	vsel vm1, $0xFFFFFC00, v0;
	vm2 =	veq.s32 v2, $0x80000000;
	v3 =	vand.u32 $0xFFFFFC00, v1  }
0x36: {  	v1 =	vand.u32 $0x380, v1;
	v3 =	vadd.s32 v4, v3;
	v4 =	vshll.u32 v2, $0x7  }
0x37: {  	v2 =	vand.u32 $0x1FFF80, v4;
	v4 =	vsel vm1, $0x7F, v0;
	v1 =	vor.u32 v1, v3  }
0x38: {  	v1 =	vor.u32 v4, v1  }
0x39: {  	s16 =	sshll.u32 s12, $0x7  }
0x3a: {  	s16 =	sand.u32 $0x80, s16;
	s18 =	sadd.s32 $0x10, s15;
	v5 =	vsel vm2, $0xFFFFFF80, v2  }
0x3b: {  	s17 =	simm.s32 $0x20;
	s15 =	sor.u32 $0x100, s14;
	s14 =	sor.u32 $0x100, s16;
	v6 =	vsel vm2, $0xFFFFFC00, v0;
	v2 =	vld.msk [tilespmem:s18+$0x0 ss:$0x1], $0xffff;
	v4 =	vand.u32 $0xFFFFFC00, v5  }
0x3c: {  	s16 =	sadd.s32 $0x10, s15;
	v3 =	vsel vm2, $0x7F, v0;
	s18 =	sadd.s32 $0x10, s18;
	(ifvalue) =	ssetifvalue $0x7FFFFFFF;
	v5 =	vand.u32 $0x380, v5;
	v4 =	vadd.s32 v6, v4  }
.LBB2_3:
0x3d: {  	[tilespmem:s15], [sflag:$0x1] =	stream.indirect_vreg.gather [hbm4b:s2+s10], $0x1, v1, vm0, $0x4038;
	[tilespmem:$0x200] =	vst v63  }
0x3e: {  	s17 =	sadd.s32 $0x10, s17  }
0x3f: {  	v4 =	vor.u32 v5, v4;
	p1 =	slt.u32 s17, $0x70  }
.Ltmp3:
0x40: {  	v5 =	vshll.u32 v2, $0x7;
	s15 =	smov.u32 s16;
	v1 =	vor.u32 v3, v4;
	v3 =	vmov v2;
	v2 =	vld.msk [tilespmem:s18+$0x0 ss:$0x1], $0xffff;
	(pc) =	sbr.rel @p1 .LBB2_3-.Ltmp3, $4  }
0x41: {  	v4 =	vand.u32 $0x1FFF80, v5;
	vm1 =	veq.s32 v3, $0x80000000  }
0x42: {  	v3 =	vsel vm1, $0x7F, v0;
	v5 =	vsel vm1, $0xFFFFFF80, v4  }
0x43: {  	v6 =	vsel vm1, $0xFFFFFC00, v0;
	v4 =	vand.u32 $0xFFFFFC00, v5  }
0x44: {  	s16 =	sadd.s32 $0x10, s16;
	s18 =	sadd.s32 $0x10, s18;
	v5 =	vand.u32 $0x380, v5;
	v4 =	vadd.s32 v6, v4;
	(ifvalue) =	ssetifvalue $0x7FFFFFFF  }
.Ltmp4:
0x45: {  	_ = 	snop;
	(pc) =	sbr.rel .LBB2_4-.Ltmp4, $1  }
0x46: {  	_ =	sdelay $0x3  }
.LBB2_6:
0x47: {  	_ =	sfence.sel $0x180000  }
0x48: {  	s2 =	simm.s32 $0x2;
	[bflag:$0x0] =	sbarrier.arrive $0xFFFF  }
0x49: {  	s30 =	simm.s32 $0x3;
	[sflag:s2] =	ssyncpa.u1 $0x1  }
0x4a: {  	s31 =	simm.s32 $0x1;
	[sflag:s30] =	ssyncpa.u1 $0x1  }
0x4b: {  	[sflag:s31] =	ssyncpa.u1 $0x1  }
0x4c: {  	p0 =	sne.s32 s0, $0x0;
	_ =	strace $0x9000004A  }
0x4d: {  	s0 =	sadd.s32 @!p0 $0x100000, s1;
	[bflag:$0x2] =	sbarrier.arrive $0xFFFF  }
0x4e: {  	[sflag:s0] =	ssyncadd.tile.s32 @!p0 $0x1;
	_ =	shalt  }
.Lfunc_end2:
_tile_overlayer_lowered:
.L_overlay_start_2:
0x4f: {  	(tag) =	ssettag $0x2  }
0x50: {  	s0 =	rddreg [dreg:$0x0];
	s2 =	stileid.u32  }
0x51: {  	s1 =	rddreg [dreg:$0x1];
	p0 =	sne.s32 s2, $0x0  }
0x52: {  	s3 =	rddreg [dreg:$0x2];
	[bflag:$0x3] =	sbarrier.arrive $0xFFFF;
	s2 =	simm.s32 @!p0 $0x1C01  }
0x53: {  	[timem:s3], [sflag:s2] =	dma.local @!p0 [hbm:s0], s1  }
0x54: {  	s0 =	simm.s32 @!p0 $0x1  }
0x55: {  	_ =	swait.ge @!p0 [sflag:s0], s1  }
0x56: {  	s1 =	ssub.s32 @!p0 $0x0, s1;
	[sflag:s0] =	ssyncset.done @!p0 $0x0  }
0x57: {  	[sflag:s0] =	ssyncadd.s32 @!p0 s1  }
0x58: {  	[bflag:$0x3] =	sbarrier.arrive $0xFFFF  }
0x59: {  	_ =	shalt  }

// kernel: kernel.5.cloned.1.call-start
scs
__scs_entry_jumppad:
0x0: {  	(pc) =	sbr.rel $0x88, $3  }
0x1: {  	(tag) =	ssettag $0x0;
	lr =	simm.s32 $0x1  }
0x2: {  	[smem:$0x3F9A] =	sst lr;
	_ =	strace $0xD0000000  }
0x3: {  	_ = 	snop  }
0x4: {  	_ = 	snop  }
0x5: {  	_ = 	snop  }
0x6: {  	_ = 	snop  }
0x7: {  	_ = 	snop  }
__scs_overlays_trampoline_lowered:
0x8: {  	[smem:$0x3FA9] =	sst s0  }
0x9: {  	[smem:$0x3FAA] =	sst s1  }
0xa: {  	[smem:$0x3FAB] =	sst s2  }
0xb: {  	[smem:$0x3FAC] =	sst s3  }
0xc: {  	[smem:$0x3FAD] =	sst s4  }
0xd: {  	[smem:$0x3FAE] =	sst s5  }
0xe: {  	[smem:$0x3FAF] =	sst s6  }
0xf: {  	[smem:$0x3FB0] =	sst s7  }
0x10: {  	[smem:$0x3FB1] =	sst s8  }
0x11: {  	[smem:$0x3FB2] =	sst s9;
	s0 =	simm.s32 @!p0 $0x0  }
0x12: {  	s1 =	sld [smem:$0x3F98];
	s0 =	simm.s32 @p0 $0x1  }
0x13: {  	[smem:$0x3FB3] =	sst s0;
	s0 =	simm.s32 @!p1 $0x0  }
0x14: {  	s2 =	sld [smem:$0x3F97];
	s0 =	simm.s32 @p1 $0x1  }
0x15: {  	[smem:$0x3FB4] =	sst s0;
	s0 =	simm.s32 @!p2 $0x0  }
0x16: {  	s3 =	sld [smem:$0x3FDB];
	s0 =	simm.s32 @p2 $0x1  }
0x17: {  	s4 =	simm.s32 $0x1BF5;
	[smem:$0x3FB6] =	sst s0  }
0x18: {  	s0 =	sld [smem:$0x3F99];
	_ =	swait.ge [sflag:s4], $0x0  }
0x19: {  	s7 =	sld [smem:$0x3F9A]  }
0x1a: {  	s8 =	sadd.s32 $0xFFFFE003, lr  }
0x1b: {  	s9 =	sadd.s32 $0xFFFFFEF7, lr;
	s5 =	simm.s32 $0xFFFFFFFF;
	p2 =	slt.u32 s8, $0xFFFFF086  }
0x1c: {  	p1 =	slt.u32 s9, $0xF7A;
	s5 =	simm.s32 @!p2 $0x0  }
0x1d: {  	s5 =	simm.s32 @p1 $0x1;
	p0 =	seq.s32 s7, s2  }
0x1e: {  	s7 =	smul.u32 @!p0 $0xF7A, s2;
	p2 =	seq.s32 @!p0 s5, $0x0  }
0x1f: {  	s9 =	smul.u32 $0xF7A, s1;
	s8 =	simm.s32 @!p0 $0x1BF5;
	p2 =	por !p2, p0  }
0x20: {  	[sflag:s8] =	ssyncset.s32 @!p0 $0xFFFFF086;
	s6 =	sadd.s32 @!p0 s3, s7;
	s7 =	simm.s32 @!p0 $0x108  }
0x21: {  	s3 =	sadd.s32 s3, s9;
	s6 =	sadd.s32 @!p0 $0x88, s6;
	s7 =	simm.s32 @p2 $0x1082  }
0x22: {  	[simem:s7], [sflag:s8] =	dma.local @!p0 [hbm:s6], $0xF7A  }
0x23: {  	s9 =	sor.u32 $0xD0000000, s2;
	s6 =	simm.s32 $0x108;
	_ =	swait.ge @!p0 [sflag:s8], $0x0  }
0x24: {  	s3 =	sadd.s32 $0x88, s3;
	s6 =	simm.s32 @!p1 $0x1082;
	[sflag:s4] =	ssyncset.s32 $0xFFFFF086  }
0x25: {  	[simem:s6], [sflag:s4] =	dma.local [hbm:s3], $0xF7A  }
0x26: {  	[smem:$0x3F9A] =	sst s1;
	(tag) =	ssettag s2;
	_ =	strace s9  }
0x27: {  	s1 =	sld [smem:$0x3FAA]  }
0x28: {  	s2 =	sld [smem:$0x3FAB]  }
0x29: {  	s4 =	sld [smem:$0x3FAD]  }
0x2a: {  	p0 =	seq.s32 s5, $0x0;
	s5 =	sld [smem:$0x3FAE]  }
0x2b: {  	s6 =	sld [smem:$0x3FAF]  }
0x2c: {  	s7 =	sld [smem:$0x3FB0]  }
0x2d: {  	s3 =	simm.s32 $0x108;
	s8 =	sld [smem:$0x3FB1]  }
0x2e: {  	s3 =	simm.s32 @!p0 $0x1082;
	s9 =	sld [smem:$0x3FB2]  }
0x2f: {  	lr =	sadd.s32 s0, s3;
	s0 =	sld [smem:$0x3FA9]  }
0x30: {  	s3 =	sld [smem:$0x3FAC]  }
0x31: {  	[smem:$0x3FB5] =	sst s10  }
0x32: {  	s10 =	sld [smem:$0x3FB3];
	_ =	sdelay $0x3  }
0x33: {  	p0 =	seq.s32 s10, $0x1;
	s10 =	sld [smem:$0x3FB5];
	_ =	sdelay $0x3  }
0x34: {  	[smem:$0x3FB5] =	sst s10  }
0x35: {  	s10 =	sld [smem:$0x3FB4];
	_ =	sdelay $0x3  }
0x36: {  	p1 =	seq.s32 s10, $0x1;
	s10 =	sld [smem:$0x3FB5];
	_ =	sdelay $0x3  }
0x37: {  	[smem:$0x3FB5] =	sst s10  }
0x38: {  	s10 =	sld [smem:$0x3FB6]  }
0x39: {  	_ = 	snop;
	(pc) =	sbr.ind lr, $3  }
0x3a: {  	_ = 	snop  }
0x3b: {  	_ = 	snop  }
0x3c: {  	p2 =	seq.s32 s10, $0x1;
	s10 =	sld [smem:$0x3FB5]  }
0x3d: {  	_ =	shalt  }
0x3e: {  	_ =	shalt  }
0x3f: {  	_ =	shalt  }
0x40: {  	_ =	shalt  }
0x41: {  	_ =	shalt  }
0x42: {  	_ =	shalt  }
0x43: {  	_ =	shalt  }
0x44: {  	_ =	shalt  }
0x45: {  	_ =	shalt  }
0x46: {  	_ =	shalt  }
0x47: {  	_ =	shalt  }
0x48: {  	_ =	shalt  }
0x49: {  	_ =	shalt  }
0x4a: {  	_ =	shalt  }
0x4b: {  	_ =	shalt  }
0x4c: {  	_ =	shalt  }
0x4d: {  	_ =	shalt  }
0x4e: {  	_ =	shalt  }
0x4f: {  	_ =	shalt  }
0x50: {  	_ =	shalt  }
0x51: {  	_ =	shalt  }
0x52: {  	_ =	shalt  }
0x53: {  	_ =	shalt  }
0x54: {  	_ =	shalt  }
0x55: {  	_ =	shalt  }
0x56: {  	_ =	shalt  }
0x57: {  	_ =	shalt  }
0x58: {  	_ =	shalt  }
0x59: {  	_ =	shalt  }
0x5a: {  	_ =	shalt  }
0x5b: {  	_ =	shalt  }
0x5c: {  	_ =	shalt  }
0x5d: {  	_ =	shalt  }
0x5e: {  	_ =	shalt  }
0x5f: {  	_ =	shalt  }
0x60: {  	_ =	shalt  }
0x61: {  	_ =	shalt  }
0x62: {  	_ =	shalt  }
0x63: {  	_ =	shalt  }
0x64: {  	_ =	shalt  }
0x65: {  	_ =	shalt  }
0x66: {  	_ =	shalt  }
0x67: {  	_ =	shalt  }
0x68: {  	_ =	shalt  }
0x69: {  	_ =	shalt  }
0x6a: {  	_ =	shalt  }
0x6b: {  	_ =	shalt  }
0x6c: {  	_ =	shalt  }
0x6d: {  	_ =	shalt  }
0x6e: {  	_ =	shalt  }
0x6f: {  	_ =	shalt  }
0x70: {  	_ =	shalt  }
0x71: {  	_ =	shalt  }
0x72: {  	_ =	shalt  }
0x73: {  	_ =	shalt  }
0x74: {  	_ =	shalt  }
0x75: {  	_ =	shalt  }
0x76: {  	_ =	shalt  }
0x77: {  	_ =	shalt  }
0x78: {  	_ =	shalt  }
0x79: {  	_ =	shalt  }
0x7a: {  	_ =	shalt  }
0x7b: {  	_ =	shalt  }
0x7c: {  	_ =	shalt  }
0x7d: {  	_ =	shalt  }
0x7e: {  	_ =	shalt  }
0x7f: {  	_ =	shalt  }
0x80: {  	_ =	shalt  }
0x81: {  	_ =	shalt  }
0x82: {  	_ =	shalt  }
0x83: {  	_ =	shalt  }
0x84: {  	_ =	shalt  }
0x85: {  	_ =	shalt  }
0x86: {  	_ =	shalt  }
0x87: {  	_ =	shalt  }
.Lfunc_end0:
.L_simem_size_0:
called_computation.1_lowered:
.L_overlay_start_0:
0x88: {  	s2 =	sld [smem:$0x3FD9]  }
0x89: {  	s3 =	sld [smem:$0x3FFE];
	_ =	sdelay $0x1  }
0x8a: {  	s1 =	srdreg.scid  }
0x8b: {  	s0 =	sand.u32 $0x1, s1  }
0x8c: {  	s16 =	sshll.u32 s0, $0xA;
	s2 =	sadd.s32 s3, s2  }
0x8d: {  	s2 =	sadd.s32 s2, s16  }
0x8e: {  	[smem:$0x3FC1] =	sst s2  }
0x8f: {  	_ = 	snop  }
0x90: {  	(tm) =	ssettm $0x1  }
0x91: {  	s17 =	sld [smem:$0x3FFB];
	_ =	sdelay $0x3  }
0x92: {  	_ =	strace s17  }
0x93: {  	s2 =	sld [smem:$0x3FFC];
	_ =	sdelay $0x3  }
0x94: {  	_ =	strace s2  }
0x95: {  	s2 =	sld [smem:$0x3FFD];
	_ =	sdelay $0x3  }
0x96: {  	_ =	strace s2  }
0x97: {  	_ =	strace $0x8FFFFFFF  }
0x98: {  	s18 =	sld [smem:$0x3FDB];
	_ =	sdelay $0x1  }
0x99: {  	s19 =	simm.s32 $_scs_section_size  }
0x9a: {  	s4 =	simm.s32 $_size__tile_overlayer_lowered;
	s5 =	simm.s32 $_tile_overlayer_lowered  }
0x9b: {  	s22 =	simm.s32 $0x1BFF;
	s21 =	sshll.u32 s5, $0x1;
	s2 =	sadd.s32 s19, s18  }
0x9c: {  	s6 =	simm.s32 $0x0;
	s20 =	sshll.u32 s4, $0x1;
	s4 =	sadd.s32 s21, s2  }
0x9d: {  	[timem:s6], [sflag:s22] =	dma.local [hbm:s4], s20  }
0x9e: {  	_ =	swait.ge [sflag:s22], s20  }
0x9f: {  	s3 =	ssub.s32 $0x0, s20;
	[sflag:s22] =	ssyncset.done $0x0  }
0xa0: {  	[sflag:s22] =	ssyncadd.s32 s3;
	_ =	sdelay $0x1  }
0xa1: {  	s23 =	simm.s32 $0x1B8B  }
0xa2: {  	_ =	swait.ge [sflag:s23], $0x1  }
0xa3: {  	[sflag:s23] =	ssyncset.done $0x0  }
0xa4: {  	s25 =	simm.s32 $0x1B8E;
	s24 =	sld [smem:$0x3FFE];
	[sflag:s23] =	ssyncadd.s32 $0xFFFFFFFF  }
0xa5: {  	s26 =	simm.s32 $execute0_lowered;
	[smem:$0x3FD2] =	sst s25  }
0xa6: {  	s4 =	sshll.u32 s26, $0x1;
	_ =	strace $0x80000046;
	[dreg:$0x1] =	wrdreg $0xFFFFFFFF  }
0xa7: {  	s28 =	simm.s32 $_size_execute0_lowered;
	s2 =	sadd.s32 s2, s4;
	[dreg:$0x0] =	wrdreg $0x0  }
0xa8: {  	s4 =	sshll.u32 s28, $0x1;
	[dreg:$0x2] =	wrdreg s2  }
0xa9: {  	[dreg:$0x3] =	wrdreg s4  }
0xaa: {  	[dreg:$0x4] =	wrdreg $0xC0  }
0xab: {  	_ =	task [dreg:s6], $0x5FFFF  }
0xac: {  	[dreg:$0x1] =	wrdreg $0xFFFFFFFF  }
0xad: {  	[dreg:$0x0] =	wrdreg $0x60  }
0xae: {  	[dreg:$0x2] =	wrdreg s24  }
0xaf: {  	[dreg:$0x3] =	wrdreg $0x9  }
0xb0: {  	_ =	task.clear_ibuf [dreg:s6], $0x4FFFF;
	_ =	strace $0x90000046  }
0xb1: {  	s29 =	simm.s32 $0x9;
	_ =	strace $0x80000048  }
0xb2: {  	_ =	swait.ge [sflag:s29], $0x1  }
0xb3: {  	[sflag:s29] =	ssyncadd.s32 $0xFFFFFFFF  }
0xb4: {  	_ =	strace $0x90000048  }
0xb5: {  	_ =	sfence  }
0xb6: {  	s30 =	sld [smem:$0x0];
	_ =	sdelay $0x2  }
0xb7: {  	s31 =	sshll.u32 s1, $0xD;
	s1 =	sshrl.u32 s1, $0x2  }
0xb8: {  	s3 =	sand.u32 $0x4000, s31;
	s1 =	sadd.s32 s1, s30  }
0xb9: {  	s0 =	sor.u32 s3, s0;
	s1 =	sshll.u32 s1, $0x11  }
0xba: {  	s0 =	sor.u32 s1, s0  }
0xbb: {  	s0 =	sadd.s32 $0x8F2B, s0  }
0xbc: {  	[sflag:s0] =	ssyncadd.remote.s32 $0x1  }
0xbd: {  	_ =	sfence.sel $0xFFFF  }
0xbe: {  	[dreg:$0x0] =	wrdreg $0xFFFFFFFF;
	(pc) =	sbr.abs _section_cstart, $3  }
0xbf: {  	[dreg:$0x1] =	wrdreg $0xFFFFFFFF  }
0xc0: {  	_ =	task.clear_ibuf [dreg:s6], $0x2FFFF;
	_ =	strace $0x9FFFFFFF  }
0xc1: {  	(tm) =	ssettm $0x7FFFFFFF  }
tec
execute0_lowered:
.L_overlay_start_1:
0x0: {  	(tag) =	ssettag $0x1  }
0x1: {  	s0 =	srdreg.scid;
	s1 =	stileid.u32  }
0x2: {  	s5 =	rddreg [dreg:$0x0];
	s2 =	simm.s32 $0x0;
	s9 =	simm.s32 $0x1  }
0x3: {  	s28 =	simm.s32 $0x3A00;
	s29 =	simm.s32 $0x4200;
	s30 =	simm.s32 $0x4A00  }
0x4: {  	s31 =	simm.s32 $0x5200;
	s14 =	simm.s32 $0x8A00;
	s15 =	simm.s32 $0x9200  }
0x5: {  	s16 =	simm.s32 $0x9A00;
	s17 =	simm.s32 $0xA200;
	s18 =	simm.s32 $0xAA00  }
0x6: {  	s19 =	simm.s32 $0xB200;
	s7 =	simm.s32 $0xBA00;
	s8 =	simm.s32 $0xC200  }
0x7: {  	s11 =	simm.s32 $0xDA00;
	s12 =	simm.s32 $0xE200;
	s13 =	simm.s32 $0xEA00  }
0x8: {  	s21 =	simm.s32 $0xF200;
	s0 =	sand.u32 $0x1, s0;
	s1 =	sshll.u32 s1, $0x1  }
0x9: {  	s22 =	simm.s32 $0xFA00;
	[smem:$0x7FF] =	sst s2;
	s1 =	sor.u32 s0, s1  }
0xa: {  	s4 =	sadd.s32 $0x80800, s5;
	s3 =	sshll.u32 s1, $0x6;
	s1 =	sshll.u32 s1, $0xE  }
0xb: {  	_ =	strace $0x80000047;
	s3 =	sadd.s32 s3, s5;
	s23 =	sadd.s32 s5, s1  }
0xc: {  	s0 =	ssub.s32 $0x2, s0;
	s6 =	sadd.s32 $0x80000, s3;
	[dreg:$0x6] =	wrdreg s23  }
0xd: {  	s25 =	sshrl.u32 s0, $0x1;
	s1 =	sadd.s32 $0x1000, s23;
	[dreg:$0x2] =	wrdreg s6  }
0xe: {  	s0 =	ssub.s32 s0, s25;
	s24 =	sadd.s32 $0x2000, s23;
	[dreg:$0x3] =	wrdreg s1  }
0xf: {  	v2 =	vlaneseq.u32;
	s5 =	sadd.s32 $0x80900, s5;
	s26 =	sadd.s32 $0x3000, s23;
	[dreg:$0x4] =	wrdreg s24  }
0x10: {  	vm0 =	vmmov $0xffff;
	v1 =	vshrl.u32 v2, $0x3;
	s25 =	simm.s32 $0x3200;
	s23 =	simm.s32 $0x1A00;
	[dreg:$0x5] =	wrdreg s26  }
0x11: {  	v0 =	vand.u32 $0x7, v2;
	v2 =	vor.u32 $0x8, v2;
	v1 =	vmul.u32 $0x8, v1;
	s6 =	smax.u32 s0, $0x1;
	s26 =	simm.s32 $0x2;
	s24 =	simm.s32 $0x2200  }
.LBB2_1:
0x12: {  	s20 =	rddreg [dreg:$0x2];
	s0 =	simm.s32 $0x3  }
0x13: {  	[tilespmem:s2], [sflag:$0x3] =	stream.linear.gather [hbm4b:s20+s2], $0x200, $0x38;
	[tilespmem:$0x10200] =	vst v63  }
0x14: {  	_ =	swait.ge [sflag:s0], $0x200  }
0x15: {  	[sflag:s0] =	ssyncset.done $0x0  }
0x16: {  	s10 =	simm.s32 $0x200;
	s3 =	rddreg [dreg:$0x6];
	[sflag:s0] =	ssyncadd.s32 $0xFFFFFE00  }
0x17: {  	[tilespmem:s10], [sflag:$0x1] =	stream.linear.gather [hbm4b:s3+s2], $0x8000, $0x38;
	[tilespmem:$0x10200] =	vst v63  }
0x18: {  	_ =	swait.ge [sflag:s9], $0x8000  }
0x19: {  	[sflag:s9] =	ssyncset.done $0x0  }
0x1a: {  	s0 =	simm.s32 $0x8200;
	s3 =	rddreg [dreg:$0x3];
	[sflag:s9] =	ssyncadd.s32 $0xFFFF8000  }
0x1b: {  	[tilespmem:s0], [sflag:$0x1] =	stream.linear.gather [hbm4b:s3+s2], $0x8000, $0x38;
	[tilespmem:$0x10200] =	vst v63  }
0x1c: {  	v3 =	vld [tilespmem:$0x0];
	_ =	sdelay $0x4  }
0x1d: {  	v4 =	vshll.u32 v3, $0x2  }
0x1e: {  	v3 =	vand.u32 $0x7, v3;
	v4 =	vand.u32 $0xFFFFFFE0, v4  }
0x1f: {  	v3 =	vor.u32 v3, v4  }
0x20: {  	v4 =	vperm.xlane v3, v0;
	_ =	sdelay $0x1  }
0x21: {  	v4 =	vadd.s32 v1, v4;
	_ =	sdelay $0x1  }
0x22: {  	v3 =	vperm.xlane v3, v2;
	_ =	sdelay $0x1  }
0x23: {  	v3 =	vadd.s32 v1, v3  }
0x24: {  	[hbm4b:s4+s2] =	stream.indirect_vreg.scatter [tilespmem:s10], [sflag:$0x2], $0x80, v4, vm0, $0xb8;
	[tilespmem:$0x10200] =	vst v63  }
0x25: {  	s1 =	simm.s32 $0xA00  }
0x26: {  	[hbm4b:s5+s2] =	stream.indirect_vreg.scatter [tilespmem:s1], [sflag:$0x2], $0x80, v4, vm0, $0xb8;
	[tilespmem:$0x10200] =	vst v63  }
0x27: {  	s20 =	simm.s32 $0x1200  }
0x28: {  	[hbm4b:s4+s2] =	stream.indirect_vreg.scatter [tilespmem:s20], [sflag:$0x2], $0x80, v3, vm0, $0xb8;
	[tilespmem:$0x10200] =	vst v63  }
0x29: {  	_ = 	snop  }
0x2a: {  	[hbm4b:s5+s2] =	stream.indirect_vreg.scatter [tilespmem:s23], [sflag:$0x2], $0x80, v3, vm0, $0xb8;
	[tilespmem:$0x10200] =	vst v63  }
0x2b: {  	v3 =	vld [tilespmem:$0x10];
	_ =	sdelay $0x4  }
0x2c: {  	v49 =	vshll.u32 v3, $0x2  }
0x2d: {  	v3 =	vand.u32 $0x7, v3;
	v4 =	vand.u32 $0xFFFFFFE0, v49  }
0x2e: {  	v3 =	vor.u32 v3, v4  }
0x2f: {  	v4 =	vperm.xlane v3, v0;
	_ =	sdelay $0x1  }
0x30: {  	v4 =	vadd.s32 v1, v4;
	_ =	sdelay $0x1  }
0x31: {  	v3 =	vperm.xlane v3, v2;
	_ =	sdelay $0x1  }
0x32: {  	v3 =	vadd.s32 v1, v3  }
0x33: {  	[hbm4b:s4+s2] =	stream.indirect_vreg.scatter [tilespmem:s24], [sflag:$0x2], $0x80, v4, vm0, $0xb8;
	[tilespmem:$0x10200] =	vst v63  }
0x34: {  	s3 =	simm.s32 $0x2A00  }
0x35: {  	[hbm4b:s5+s2] =	stream.indirect_vreg.scatter [tilespmem:s3], [sflag:$0x2], $0x80, v4, vm0, $0xb8;
	[tilespmem:$0x10200] =	vst v63  }
0x36: {  	_ = 	snop  }
0x37: {  	[hbm4b:s4+s2] =	stream.indirect_vreg.scatter [tilespmem:s25], [sflag:$0x2], $0x80, v3, vm0, $0xb8;
	[tilespmem:$0x10200] =	vst v63  }
0x38: {  	_ = 	snop  }
0x39: {  	[hbm4b:s5+s2] =	stream.indirect_vreg.scatter [tilespmem:s28], [sflag:$0x2], $0x80, v3, vm0, $0xb8;
	[tilespmem:$0x10200] =	vst v63  }
0x3a: {  	v3 =	vld [tilespmem:$0x20];
	_ =	sdelay $0x4  }
0x3b: {  	v50 =	vshll.u32 v3, $0x2  }
0x3c: {  	v3 =	vand.u32 $0x7, v3;
	v4 =	vand.u32 $0xFFFFFFE0, v50  }
0x3d: {  	v3 =	vor.u32 v3, v4  }
0x3e: {  	v4 =	vperm.xlane v3, v0;
	_ =	sdelay $0x1  }
0x3f: {  	v4 =	vadd.s32 v1, v4;
	_ =	sdelay $0x1  }
0x40: {  	v3 =	vperm.xlane v3, v2;
	_ =	sdelay $0x1  }
0x41: {  	v3 =	vadd.s32 v1, v3  }
0x42: {  	[hbm4b:s4+s2] =	stream.indirect_vreg.scatter [tilespmem:s29], [sflag:$0x2], $0x80, v4, vm0, $0xb8;
	[tilespmem:$0x10200] =	vst v63  }
0x43: {  	_ = 	snop  }
0x44: {  	[hbm4b:s5+s2] =	stream.indirect_vreg.scatter [tilespmem:s30], [sflag:$0x2], $0x80, v4, vm0, $0xb8;
	[tilespmem:$0x10200] =	vst v63  }
0x45: {  	_ = 	snop  }
0x46: {  	[hbm4b:s4+s2] =	stream.indirect_vreg.scatter [tilespmem:s31], [sflag:$0x2], $0x80, v3, vm0, $0xb8;
	[tilespmem:$0x10200] =	vst v63  }
0x47: {  	s20 =	simm.s32 $0x5A00  }
0x48: {  	[hbm4b:s5+s2] =	stream.indirect_vreg.scatter [tilespmem:s20], [sflag:$0x2], $0x80, v3, vm0, $0xb8;
	[tilespmem:$0x10200] =	vst v63  }
0x49: {  	v3 =	vld [tilespmem:$0x30];
	_ =	sdelay $0x4  }
0x4a: {  	v51 =	vshll.u32 v3, $0x2  }
0x4b: {  	v3 =	vand.u32 $0x7, v3;
	v4 =	vand.u32 $0xFFFFFFE0, v51  }
0x4c: {  	v3 =	vor.u32 v3, v4  }
0x4d: {  	v4 =	vperm.xlane v3, v0;
	_ =	sdelay $0x1  }
0x4e: {  	v4 =	vadd.s32 v1, v4;
	_ =	sdelay $0x1  }
0x4f: {  	v3 =	vperm.xlane v3, v2;
	_ =	sdelay $0x1  }
0x50: {  	s3 =	simm.s32 $0x6200;
	v3 =	vadd.s32 v1, v3  }
0x51: {  	[hbm4b:s4+s2] =	stream.indirect_vreg.scatter [tilespmem:s3], [sflag:$0x2], $0x80, v4, vm0, $0xb8;
	[tilespmem:$0x10200] =	vst v63  }
0x52: {  	s20 =	simm.s32 $0x6A00  }
0x53: {  	[hbm4b:s5+s2] =	stream.indirect_vreg.scatter [tilespmem:s20], [sflag:$0x2], $0x80, v4, vm0, $0xb8;
	[tilespmem:$0x10200] =	vst v63  }
0x54: {  	s3 =	simm.s32 $0x7200  }
0x55: {  	[hbm4b:s4+s2] =	stream.indirect_vreg.scatter [tilespmem:s3], [sflag:$0x2], $0x80, v3, vm0, $0xb8;
	[tilespmem:$0x10200] =	vst v63  }
0x56: {  	s20 =	simm.s32 $0x7A00  }
0x57: {  	[hbm4b:s5+s2] =	stream.indirect_vreg.scatter [tilespmem:s20], [sflag:$0x2], $0x80, v3, vm0, $0xb8;
	[tilespmem:$0x10200] =	vst v63  }
0x58: {  	_ =	swait.ge [sflag:s9], $0x8000  }
0x59: {  	[sflag:s9] =	ssyncset.done $0x0  }
0x5a: {  	[sflag:s9] =	ssyncadd.s32 $0xFFFF8000  }
0x5b: {  	_ =	swait.ge [sflag:s26], $0x8000  }
0x5c: {  	[sflag:s26] =	ssyncset.done $0x0  }
0x5d: {  	s3 =	rddreg [dreg:$0x4];
	[sflag:s26] =	ssyncadd.s32 $0xFFFF8000  }
0x5e: {  	[tilespmem:s10], [sflag:$0x1] =	stream.linear.gather [hbm4b:s3+s2], $0x8000, $0x38;
	[tilespmem:$0x10200] =	vst v63  }
0x5f: {  	v3 =	vld [tilespmem:$0x80];
	_ =	sdelay $0x4  }
0x60: {  	v52 =	vshll.u32 v3, $0x2  }
0x61: {  	v3 =	vand.u32 $0x7, v3;
	v4 =	vand.u32 $0xFFFFFFE0, v52  }
0x62: {  	v3 =	vor.u32 v3, v4  }
0x63: {  	v4 =	vperm.xlane v3, v0;
	_ =	sdelay $0x1  }
0x64: {  	v4 =	vadd.s32 v1, v4;
	_ =	sdelay $0x1  }
0x65: {  	v3 =	vperm.xlane v3, v2;
	_ =	sdelay $0x1  }
0x66: {  	v3 =	vadd.s32 v1, v3  }
0x67: {  	[hbm4b:s4+s2] =	stream.indirect_vreg.scatter [tilespmem:s0], [sflag:$0x2], $0x80, v4, vm0, $0xb8;
	[tilespmem:$0x10200] =	vst v63  }
0x68: {  	_ = 	snop  }
0x69: {  	[hbm4b:s5+s2] =	stream.indirect_vreg.scatter [tilespmem:s14], [sflag:$0x2], $0x80, v4, vm0, $0xb8;
	[tilespmem:$0x10200] =	vst v63  }
0x6a: {  	_ = 	snop  }
0x6b: {  	[hbm4b:s4+s2] =	stream.indirect_vreg.scatter [tilespmem:s15], [sflag:$0x2], $0x80, v3, vm0, $0xb8;
	[tilespmem:$0x10200] =	vst v63  }
0x6c: {  	_ = 	snop  }
0x6d: {  	[hbm4b:s5+s2] =	stream.indirect_vreg.scatter [tilespmem:s16], [sflag:$0x2], $0x80, v3, vm0, $0xb8;
	[tilespmem:$0x10200] =	vst v63  }
0x6e: {  	v3 =	vld [tilespmem:$0x90];
	_ =	sdelay $0x4  }
0x6f: {  	v53 =	vshll.u32 v3, $0x2  }
0x70: {  	v3 =	vand.u32 $0x7, v3;
	v4 =	vand.u32 $0xFFFFFFE0, v53  }
0x71: {  	v3 =	vor.u32 v3, v4  }
0x72: {  	v4 =	vperm.xlane v3, v0;
	_ =	sdelay $0x1  }
0x73: {  	v4 =	vadd.s32 v1, v4;
	_ =	sdelay $0x1  }
0x74: {  	v3 =	vperm.xlane v3, v2;
	_ =	sdelay $0x1  }
0x75: {  	v3 =	vadd.s32 v1, v3  }
0x76: {  	[hbm4b:s4+s2] =	stream.indirect_vreg.scatter [tilespmem:s17], [sflag:$0x2], $0x80, v4, vm0, $0xb8;
	[tilespmem:$0x10200] =	vst v63  }
0x77: {  	_ = 	snop  }
0x78: {  	[hbm4b:s5+s2] =	stream.indirect_vreg.scatter [tilespmem:s18], [sflag:$0x2], $0x80, v4, vm0, $0xb8;
	[tilespmem:$0x10200] =	vst v63  }
0x79: {  	_ = 	snop  }
0x7a: {  	[hbm4b:s4+s2] =	stream.indirect_vreg.scatter [tilespmem:s19], [sflag:$0x2], $0x80, v3, vm0, $0xb8;
	[tilespmem:$0x10200] =	vst v63  }
0x7b: {  	_ = 	snop  }
0x7c: {  	[hbm4b:s5+s2] =	stream.indirect_vreg.scatter [tilespmem:s7], [sflag:$0x2], $0x80, v3, vm0, $0xb8;
	[tilespmem:$0x10200] =	vst v63  }
0x7d: {  	v3 =	vld [tilespmem:$0xA0];
	_ =	sdelay $0x4  }
0x7e: {  	v54 =	vshll.u32 v3, $0x2  }
0x7f: {  	v3 =	vand.u32 $0x7, v3;
	v4 =	vand.u32 $0xFFFFFFE0, v54  }
0x80: {  	v3 =	vor.u32 v3, v4  }
0x81: {  	v4 =	vperm.xlane v3, v0;
	_ =	sdelay $0x1  }
0x82: {  	v4 =	vadd.s32 v1, v4;
	_ =	sdelay $0x1  }
0x83: {  	v3 =	vperm.xlane v3, v2;
	_ =	sdelay $0x1  }
0x84: {  	v3 =	vadd.s32 v1, v3  }
0x85: {  	[hbm4b:s4+s2] =	stream.indirect_vreg.scatter [tilespmem:s8], [sflag:$0x2], $0x80, v4, vm0, $0xb8;
	[tilespmem:$0x10200] =	vst v63  }
0x86: {  	s1 =	simm.s32 $0xCA00  }
0x87: {  	[hbm4b:s5+s2] =	stream.indirect_vreg.scatter [tilespmem:s1], [sflag:$0x2], $0x80, v4, vm0, $0xb8;
	[tilespmem:$0x10200] =	vst v63  }
0x88: {  	s3 =	simm.s32 $0xD200  }
0x89: {  	[hbm4b:s4+s2] =	stream.indirect_vreg.scatter [tilespmem:s3], [sflag:$0x2], $0x80, v3, vm0, $0xb8;
	[tilespmem:$0x10200] =	vst v63  }
0x8a: {  	_ = 	snop  }
0x8b: {  	[hbm4b:s5+s2] =	stream.indirect_vreg.scatter [tilespmem:s11], [sflag:$0x2], $0x80, v3, vm0, $0xb8;
	[tilespmem:$0x10200] =	vst v63  }
0x8c: {  	v3 =	vld [tilespmem:$0xB0];
	_ =	sdelay $0x4  }
0x8d: {  	v55 =	vshll.u32 v3, $0x2  }
0x8e: {  	v3 =	vand.u32 $0x7, v3;
	v4 =	vand.u32 $0xFFFFFFE0, v55  }
0x8f: {  	v3 =	vor.u32 v3, v4  }
0x90: {  	v4 =	vperm.xlane v3, v0;
	_ =	sdelay $0x1  }
0x91: {  	v4 =	vadd.s32 v1, v4;
	_ =	sdelay $0x1  }
0x92: {  	v3 =	vperm.xlane v3, v2;
	_ =	sdelay $0x1  }
0x93: {  	v3 =	vadd.s32 v1, v3  }
0x94: {  	[hbm4b:s4+s2] =	stream.indirect_vreg.scatter [tilespmem:s12], [sflag:$0x2], $0x80, v4, vm0, $0xb8;
	[tilespmem:$0x10200] =	vst v63  }
0x95: {  	_ = 	snop  }
0x96: {  	[hbm4b:s5+s2] =	stream.indirect_vreg.scatter [tilespmem:s13], [sflag:$0x2], $0x80, v4, vm0, $0xb8;
	[tilespmem:$0x10200] =	vst v63  }
0x97: {  	_ = 	snop  }
0x98: {  	[hbm4b:s4+s2] =	stream.indirect_vreg.scatter [tilespmem:s21], [sflag:$0x2], $0x80, v3, vm0, $0xb8;
	[tilespmem:$0x10200] =	vst v63  }
0x99: {  	_ = 	snop  }
0x9a: {  	[hbm4b:s5+s2] =	stream.indirect_vreg.scatter [tilespmem:s22], [sflag:$0x2], $0x80, v3, vm0, $0xb8;
	[tilespmem:$0x10200] =	vst v63  }
0x9b: {  	_ =	swait.ge [sflag:s9], $0x8000  }
0x9c: {  	[sflag:s9] =	ssyncset.done $0x0  }
0x9d: {  	[sflag:s9] =	ssyncadd.s32 $0xFFFF8000  }
0x9e: {  	_ =	swait.ge [sflag:s26], $0x8000  }
0x9f: {  	[sflag:s26] =	ssyncset.done $0x0  }
0xa0: {  	s20 =	rddreg [dreg:$0x5];
	[sflag:s26] =	ssyncadd.s32 $0xFFFF8000  }
0xa1: {  	[tilespmem:s0], [sflag:$0x1] =	stream.linear.gather [hbm4b:s20+s2], $0x8000, $0x38;
	[tilespmem:$0x10200] =	vst v63  }
0xa2: {  	v3 =	vld [tilespmem:$0x100];
	_ =	sdelay $0x4  }
0xa3: {  	v56 =	vshll.u32 v3, $0x2  }
0xa4: {  	v3 =	vand.u32 $0x7, v3;
	v4 =	vand.u32 $0xFFFFFFE0, v56  }
0xa5: {  	v3 =	vor.u32 v3, v4  }
0xa6: {  	v4 =	vperm.xlane v3, v0;
	_ =	sdelay $0x1  }
0xa7: {  	v4 =	vadd.s32 v1, v4;
	_ =	sdelay $0x1  }
0xa8: {  	v3 =	vperm.xlane v3, v2;
	_ =	sdelay $0x1  }
0xa9: {  	v3 =	vadd.s32 v1, v3  }
0xaa: {  	[hbm4b:s4+s2] =	stream.indirect_vreg.scatter [tilespmem:s10], [sflag:$0x2], $0x80, v4, vm0, $0xb8;
	[tilespmem:$0x10200] =	vst v63  }
0xab: {  	s20 =	simm.s32 $0xA00  }
0xac: {  	[hbm4b:s5+s2] =	stream.indirect_vreg.scatter [tilespmem:s20], [sflag:$0x2], $0x80, v4, vm0, $0xb8;
	[tilespmem:$0x10200] =	vst v63  }
0xad: {  	s20 =	simm.s32 $0x1200  }
0xae: {  	[hbm4b:s4+s2] =	stream.indirect_vreg.scatter [tilespmem:s20], [sflag:$0x2], $0x80, v3, vm0, $0xb8;
	[tilespmem:$0x10200] =	vst v63  }
0xaf: {  	_ = 	snop  }
0xb0: {  	[hbm4b:s5+s2] =	stream.indirect_vreg.scatter [tilespmem:s23], [sflag:$0x2], $0x80, v3, vm0, $0xb8;
	[tilespmem:$0x10200] =	vst v63  }
0xb1: {  	v3 =	vld [tilespmem:$0x110];
	_ =	sdelay $0x4  }
0xb2: {  	v57 =	vshll.u32 v3, $0x2  }
0xb3: {  	v3 =	vand.u32 $0x7, v3;
	v4 =	vand.u32 $0xFFFFFFE0, v57  }
0xb4: {  	v3 =	vor.u32 v3, v4  }
0xb5: {  	v4 =	vperm.xlane v3, v0;
	_ =	sdelay $0x1  }
0xb6: {  	v4 =	vadd.s32 v1, v4;
	_ =	sdelay $0x1  }
0xb7: {  	v3 =	vperm.xlane v3, v2;
	_ =	sdelay $0x1  }
0xb8: {  	v3 =	vadd.s32 v1, v3  }
0xb9: {  	[hbm4b:s4+s2] =	stream.indirect_vreg.scatter [tilespmem:s24], [sflag:$0x2], $0x80, v4, vm0, $0xb8;
	[tilespmem:$0x10200] =	vst v63  }
0xba: {  	s20 =	simm.s32 $0x2A00  }
0xbb: {  	[hbm4b:s5+s2] =	stream.indirect_vreg.scatter [tilespmem:s20], [sflag:$0x2], $0x80, v4, vm0, $0xb8;
	[tilespmem:$0x10200] =	vst v63  }
0xbc: {  	_ = 	snop  }
0xbd: {  	[hbm4b:s4+s2] =	stream.indirect_vreg.scatter [tilespmem:s25], [sflag:$0x2], $0x80, v3, vm0, $0xb8;
	[tilespmem:$0x10200] =	vst v63  }
0xbe: {  	_ = 	snop  }
0xbf: {  	[hbm4b:s5+s2] =	stream.indirect_vreg.scatter [tilespmem:s28], [sflag:$0x2], $0x80, v3, vm0, $0xb8;
	[tilespmem:$0x10200] =	vst v63  }
0xc0: {  	v3 =	vld [tilespmem:$0x120];
	_ =	sdelay $0x4  }
0xc1: {  	v58 =	vshll.u32 v3, $0x2  }
0xc2: {  	v3 =	vand.u32 $0x7, v3;
	v4 =	vand.u32 $0xFFFFFFE0, v58  }
0xc3: {  	v3 =	vor.u32 v3, v4  }
0xc4: {  	v4 =	vperm.xlane v3, v0;
	_ =	sdelay $0x1  }
0xc5: {  	v4 =	vadd.s32 v1, v4;
	_ =	sdelay $0x1  }
0xc6: {  	v3 =	vperm.xlane v3, v2;
	_ =	sdelay $0x1  }
0xc7: {  	v3 =	vadd.s32 v1, v3  }
0xc8: {  	[hbm4b:s4+s2] =	stream.indirect_vreg.scatter [tilespmem:s29], [sflag:$0x2], $0x80, v4, vm0, $0xb8;
	[tilespmem:$0x10200] =	vst v63  }
0xc9: {  	_ = 	snop  }
0xca: {  	[hbm4b:s5+s2] =	stream.indirect_vreg.scatter [tilespmem:s30], [sflag:$0x2], $0x80, v4, vm0, $0xb8;
	[tilespmem:$0x10200] =	vst v63  }
0xcb: {  	_ = 	snop  }
0xcc: {  	[hbm4b:s4+s2] =	stream.indirect_vreg.scatter [tilespmem:s31], [sflag:$0x2], $0x80, v3, vm0, $0xb8;
	[tilespmem:$0x10200] =	vst v63  }
0xcd: {  	s20 =	simm.s32 $0x5A00  }
0xce: {  	[hbm4b:s5+s2] =	stream.indirect_vreg.scatter [tilespmem:s20], [sflag:$0x2], $0x80, v3, vm0, $0xb8;
	[tilespmem:$0x10200] =	vst v63  }
0xcf: {  	v3 =	vld [tilespmem:$0x130];
	_ =	sdelay $0x4  }
0xd0: {  	v59 =	vshll.u32 v3, $0x2  }
0xd1: {  	v3 =	vand.u32 $0x7, v3;
	v4 =	vand.u32 $0xFFFFFFE0, v59  }
0xd2: {  	v3 =	vor.u32 v3, v4  }
0xd3: {  	v4 =	vperm.xlane v3, v0;
	_ =	sdelay $0x1  }
0xd4: {  	v4 =	vadd.s32 v1, v4;
	_ =	sdelay $0x1  }
0xd5: {  	v3 =	vperm.xlane v3, v2;
	_ =	sdelay $0x1  }
0xd6: {  	s20 =	simm.s32 $0x6200;
	v3 =	vadd.s32 v1, v3  }
0xd7: {  	[hbm4b:s4+s2] =	stream.indirect_vreg.scatter [tilespmem:s20], [sflag:$0x2], $0x80, v4, vm0, $0xb8;
	[tilespmem:$0x10200] =	vst v63  }
0xd8: {  	s20 =	simm.s32 $0x6A00  }
0xd9: {  	[hbm4b:s5+s2] =	stream.indirect_vreg.scatter [tilespmem:s20], [sflag:$0x2], $0x80, v4, vm0, $0xb8;
	[tilespmem:$0x10200] =	vst v63  }
0xda: {  	s20 =	simm.s32 $0x7200  }
0xdb: {  	[hbm4b:s4+s2] =	stream.indirect_vreg.scatter [tilespmem:s20], [sflag:$0x2], $0x80, v3, vm0, $0xb8;
	[tilespmem:$0x10200] =	vst v63  }
0xdc: {  	s20 =	simm.s32 $0x7A00  }
0xdd: {  	[hbm4b:s5+s2] =	stream.indirect_vreg.scatter [tilespmem:s20], [sflag:$0x2], $0x80, v3, vm0, $0xb8;
	[tilespmem:$0x10200] =	vst v63  }
0xde: {  	_ =	swait.ge [sflag:s9], $0x8000  }
0xdf: {  	[sflag:s9] =	ssyncset.done $0x0  }
0xe0: {  	[sflag:s9] =	ssyncadd.s32 $0xFFFF8000  }
0xe1: {  	v3 =	vld [tilespmem:$0x180];
	_ =	sdelay $0x4  }
0xe2: {  	v60 =	vshll.u32 v3, $0x2  }
0xe3: {  	v3 =	vand.u32 $0x7, v3;
	v4 =	vand.u32 $0xFFFFFFE0, v60  }
0xe4: {  	v3 =	vor.u32 v3, v4  }
0xe5: {  	v4 =	vperm.xlane v3, v0;
	_ =	sdelay $0x1  }
0xe6: {  	v4 =	vadd.s32 v1, v4;
	_ =	sdelay $0x1  }
0xe7: {  	v3 =	vperm.xlane v3, v2;
	_ =	sdelay $0x1  }
0xe8: {  	v3 =	vadd.s32 v1, v3  }
0xe9: {  	[hbm4b:s4+s2] =	stream.indirect_vreg.scatter [tilespmem:s0], [sflag:$0x2], $0x80, v4, vm0, $0xb8;
	[tilespmem:$0x10200] =	vst v63  }
0xea: {  	_ = 	snop  }
0xeb: {  	[hbm4b:s5+s2] =	stream.indirect_vreg.scatter [tilespmem:s14], [sflag:$0x2], $0x80, v4, vm0, $0xb8;
	[tilespmem:$0x10200] =	vst v63  }
0xec: {  	_ = 	snop  }
0xed: {  	[hbm4b:s4+s2] =	stream.indirect_vreg.scatter [tilespmem:s15], [sflag:$0x2], $0x80, v3, vm0, $0xb8;
	[tilespmem:$0x10200] =	vst v63  }
0xee: {  	_ = 	snop  }
0xef: {  	[hbm4b:s5+s2] =	stream.indirect_vreg.scatter [tilespmem:s16], [sflag:$0x2], $0x80, v3, vm0, $0xb8;
	[tilespmem:$0x10200] =	vst v63  }
0xf0: {  	v3 =	vld [tilespmem:$0x190];
	_ =	sdelay $0x4  }
0xf1: {  	v61 =	vshll.u32 v3, $0x2  }
0xf2: {  	v3 =	vand.u32 $0x7, v3;
	v4 =	vand.u32 $0xFFFFFFE0, v61  }
0xf3: {  	v3 =	vor.u32 v3, v4  }
0xf4: {  	v4 =	vperm.xlane v3, v0;
	_ =	sdelay $0x1  }
0xf5: {  	v4 =	vadd.s32 v1, v4;
	_ =	sdelay $0x1  }
0xf6: {  	v3 =	vperm.xlane v3, v2;
	_ =	sdelay $0x1  }
0xf7: {  	v3 =	vadd.s32 v1, v3  }
0xf8: {  	[hbm4b:s4+s2] =	stream.indirect_vreg.scatter [tilespmem:s17], [sflag:$0x2], $0x80, v4, vm0, $0xb8;
	[tilespmem:$0x10200] =	vst v63  }
0xf9: {  	_ = 	snop  }
0xfa: {  	[hbm4b:s5+s2] =	stream.indirect_vreg.scatter [tilespmem:s18], [sflag:$0x2], $0x80, v4, vm0, $0xb8;
	[tilespmem:$0x10200] =	vst v63  }
0xfb: {  	_ = 	snop  }
0xfc: {  	[hbm4b:s4+s2] =	stream.indirect_vreg.scatter [tilespmem:s19], [sflag:$0x2], $0x80, v3, vm0, $0xb8;
	[tilespmem:$0x10200] =	vst v63  }
0xfd: {  	_ = 	snop  }
0xfe: {  	[hbm4b:s5+s2] =	stream.indirect_vreg.scatter [tilespmem:s7], [sflag:$0x2], $0x80, v3, vm0, $0xb8;
	[tilespmem:$0x10200] =	vst v63  }
0xff: {  	v3 =	vld [tilespmem:$0x1A0];
	_ =	sdelay $0x4  }
0x100: {  	v62 =	vshll.u32 v3, $0x2  }
0x101: {  	v3 =	vand.u32 $0x7, v3;
	v4 =	vand.u32 $0xFFFFFFE0, v62  }
0x102: {  	v3 =	vor.u32 v3, v4  }
0x103: {  	v4 =	vperm.xlane v3, v0;
	_ =	sdelay $0x1  }
0x104: {  	v4 =	vadd.s32 v1, v4;
	_ =	sdelay $0x1  }
0x105: {  	v3 =	vperm.xlane v3, v2;
	_ =	sdelay $0x1  }
0x106: {  	v3 =	vadd.s32 v1, v3  }
0x107: {  	[hbm4b:s4+s2] =	stream.indirect_vreg.scatter [tilespmem:s8], [sflag:$0x2], $0x80, v4, vm0, $0xb8;
	[tilespmem:$0x10200] =	vst v63  }
0x108: {  	_ = 	snop  }
0x109: {  	[hbm4b:s5+s2] =	stream.indirect_vreg.scatter [tilespmem:s1], [sflag:$0x2], $0x80, v4, vm0, $0xb8;
	[tilespmem:$0x10200] =	vst v63  }
0x10a: {  	_ = 	snop  }
0x10b: {  	[hbm4b:s4+s2] =	stream.indirect_vreg.scatter [tilespmem:s3], [sflag:$0x2], $0x80, v3, vm0, $0xb8;
	[tilespmem:$0x10200] =	vst v63  }
0x10c: {  	_ = 	snop  }
0x10d: {  	[hbm4b:s5+s2] =	stream.indirect_vreg.scatter [tilespmem:s11], [sflag:$0x2], $0x80, v3, vm0, $0xb8;
	[tilespmem:$0x10200] =	vst v63  }
0x10e: {  	v3 =	vld [tilespmem:$0x1B0];
	_ =	sdelay $0x4  }
0x10f: {  	v63 =	vshll.u32 v3, $0x2  }
0x110: {  	v3 =	vand.u32 $0x7, v3;
	v4 =	vand.u32 $0xFFFFFFE0, v63  }
0x111: {  	v3 =	vor.u32 v3, v4  }
0x112: {  	v4 =	vperm.xlane v3, v0;
	_ =	sdelay $0x1  }
0x113: {  	v4 =	vadd.s32 v1, v4;
	_ =	sdelay $0x1  }
0x114: {  	v3 =	vperm.xlane v3, v2;
	_ =	sdelay $0x1  }
0x115: {  	v3 =	vadd.s32 v1, v3  }
0x116: {  	[hbm4b:s4+s2] =	stream.indirect_vreg.scatter [tilespmem:s12], [sflag:$0x2], $0x80, v4, vm0, $0xb8;
	[tilespmem:$0x10200] =	vst v63  }
0x117: {  	_ = 	snop  }
0x118: {  	[hbm4b:s5+s2] =	stream.indirect_vreg.scatter [tilespmem:s13], [sflag:$0x2], $0x80, v4, vm0, $0xb8;
	[tilespmem:$0x10200] =	vst v63  }
0x119: {  	_ = 	snop  }
0x11a: {  	[hbm4b:s4+s2] =	stream.indirect_vreg.scatter [tilespmem:s21], [sflag:$0x2], $0x80, v3, vm0, $0xb8;
	[tilespmem:$0x10200] =	vst v63  }
0x11b: {  	_ = 	snop  }
0x11c: {  	[hbm4b:s5+s2] =	stream.indirect_vreg.scatter [tilespmem:s22], [sflag:$0x2], $0x80, v3, vm0, $0xb8;
	[tilespmem:$0x10200] =	vst v63  }
0x11d: {  	p0 =	sne.s32 s6, $0x1;
	_ =	swait.ge [sflag:s26], $0x8000  }
.Ltmp0:
0x11e: {  	[sflag:s26] =	ssyncset.done $0x0;
	(pc) =	sbr.rel @p0 .LBB2_1-.Ltmp0, $4  }
0x11f: {  	[sflag:s26] =	ssyncadd.s32 $0xFFFF8000  }
0x120: {  	_ =	swait.ge [sflag:s26], $0x8000  }
0x121: {  	[sflag:s26] =	ssyncset.done $0x0  }
0x122: {  	s6 =	sadd.s32 $0xFFFFFFFF, s6;
	[sflag:s26] =	ssyncadd.s32 $0xFFFF8000  }
0x123: {  	_ =	sfence.sel $0x180000  }
0x124: {  	[bflag:$0x0] =	sbarrier.arrive $0xFFFF  }
0x125: {  	_ =	strace $0x90000047  }
0x126: {  	s0 =	stileid.u32;
	[bflag:$0x2] =	sbarrier.arrive $0xFFFF  }
0x127: {  	p0 =	sne.s32 s0, $0x0;
	s0 =	rddreg [dreg:$0x1]  }
0x128: {  	s0 =	sadd.s32 @!p0 $0x100000, s0  }
0x129: {  	[sflag:s0] =	ssyncadd.tile.s32 @!p0 $0x1;
	_ =	shalt  }
.Lfunc_end2:
_tile_overlayer_lowered:
.L_overlay_start_2:
0x12a: {  	(tag) =	ssettag $0x2  }
0x12b: {  	s0 =	rddreg [dreg:$0x0];
	s2 =	stileid.u32  }
0x12c: {  	s1 =	rddreg [dreg:$0x1];
	p0 =	sne.s32 s2, $0x0  }
0x12d: {  	s3 =	rddreg [dreg:$0x2];
	[bflag:$0x3] =	sbarrier.arrive $0xFFFF;
	s2 =	simm.s32 @!p0 $0x1C03  }
0x12e: {  	[timem:s3], [sflag:s2] =	dma.local @!p0 [hbm:s0], s1  }
0x12f: {  	s0 =	simm.s32 @!p0 $0x3  }
0x130: {  	_ =	swait.ge @!p0 [sflag:s0], s1  }
0x131: {  	s1 =	ssub.s32 @!p0 $0x0, s1;
	[sflag:s0] =	ssyncset.done @!p0 $0x0  }
0x132: {  	[sflag:s0] =	ssyncadd.s32 @!p0 s1  }
0x133: {  	[bflag:$0x3] =	sbarrier.arrive $0xFFFF  }
0x134: {  	_ =	shalt  }

</sc_bundles>
